<compile_context>
chip_gen: v7x
topology: tpu7x:2x2x1
jax: 0.10.2.dev20260603
libtpu: 0.0.44.dev20260713+nightly
codegen_flags: <defaults>
</compile_context>

<pallas_src>
import functools

import jax
import jax.numpy as jnp
from jax import lax
from jax.experimental import pallas as pl
from jax.experimental.pallas import tpu as pltpu
from jax.experimental.pallas import tpu_sc as plsc

D = 32
L = 16
NC = 2
NS = 16
NW = NC * NS
ROWS = 1000000
PK = 4
PW = PK * D
HB = 2

SCW = 4096
SRW = SCW // PK
NP = pl.cdiv(ROWS, SCW)
SR = NP * SRW


def _stage_body(inu_ref, ini_ref, outu_ref, outi_ref, xsu_ref, xsi_ref):
    xsu_ref[...] = inu_ref[...].T
    xsi_ref[...] = ini_ref[...].T
    for s in range(PK):
        outu_ref[:, s * D:(s + 1) * D] = xsu_ref[s::PK, :]
        outi_ref[:, s * D:(s + 1) * D] = xsi_ref[s::PK, :]


def _stage(utT, itT):
    sds = jax.ShapeDtypeStruct((SR, PW), jnp.float32)
    return pl.pallas_call(
        _stage_body,
        grid=(NP,),
        in_specs=[pl.BlockSpec((D, SCW), lambda p: (0, p)),
                  pl.BlockSpec((D, SCW), lambda p: (0, p))],
        out_specs=[pl.BlockSpec((SRW, PW), lambda p: (p, 0)),
                   pl.BlockSpec((SRW, PW), lambda p: (p, 0))],
        out_shape=[sds, sds],
        scratch_shapes=[pltpu.VMEM((SCW, D), jnp.float32),
                        pltpu.VMEM((SCW, D), jnp.float32)],
    )(utT, itT)


def _gmf_body(user_hbm, item_hbm, ut_hbm, it_hbm, wb_hbm, bb_hbm, out_hbm,
              uidx, iidx, ublk, iblk, urb, irb, outv, wv, bv, sem_u, sem_i,
              bpw):
    wid = lax.axis_index("s") * NC + lax.axis_index("c")
    base = wid * bpw
    ch = bpw // HB

    pltpu.sync_copy(user_hbm.at[pl.ds(base, bpw)], uidx)
    pltpu.sync_copy(item_hbm.at[pl.ds(base, bpw)], iidx)
    pltpu.sync_copy(wb_hbm, wv)
    pltpu.sync_copy(bb_hbm, bv)

    def blkidx(g, _):
        j0 = g * L
        ublk[pl.ds(j0, L)] = uidx[pl.ds(j0, L)] >> 2
        iblk[pl.ds(j0, L)] = iidx[pl.ds(j0, L)] >> 2
        return 0

    lax.fori_loop(0, bpw // L, blkidx, 0)

    wvecs = [wv[pl.ds(d * L, L)] for d in range(D)]
    bvec = bv[...]
    lane = lax.iota(jnp.int32, L)
    subm = jnp.full((L,), PK - 1, jnp.int32)
    d32 = jnp.full((L,), D, jnp.int32)

    for h in range(HB):
        cp_u = pltpu.async_copy(
            ut_hbm.at[ublk.at[pl.ds(h * ch, ch)]], urb, sem_u)
        cp_i = pltpu.async_copy(
            it_hbm.at[iblk.at[pl.ds(h * ch, ch)]], irb, sem_i)
        cp_u.wait()
        cp_i.wait()

        def group(g, _):
            j0 = h * ch + g * L
            rows = g * L + lane
            cu = (uidx[pl.ds(j0, L)] & subm) * d32
            ci = (iidx[pl.ds(j0, L)] & subm) * d32
            acc = bvec
            for d in range(D):
                cd = jnp.full((L,), d, jnp.int32)
                uc = plsc.load_gather(urb, [rows, cu + cd])
                ic = plsc.load_gather(irb, [rows, ci + cd])
                acc = acc + uc * ic * wvecs[d]
            outv[pl.ds(j0, L)] = acc
            return 0

        lax.fori_loop(0, ch // L, group, 0)

    pltpu.sync_copy(outv, out_hbm.at[pl.ds(base, bpw)])


def kernel(user, item, user_table, item_table, W, b):
    batch = user.shape[0]
    bpw = batch // NW
    ch = bpw // HB
    mesh = plsc.VectorSubcoreMesh(core_axis_name="c", subcore_axis_name="s",
                                  num_cores=NC)

    wb = jnp.broadcast_to(W.reshape(D, 1), (D, L)).reshape(D * L)
    wb = wb.astype(jnp.float32)
    bb = jnp.broadcast_to(b.reshape(1), (L,)).astype(jnp.float32)

    ut4, it4 = _stage(user_table.T, item_table.T)

    k = functools.partial(
        pl.kernel,
        mesh=mesh,
        out_type=jax.ShapeDtypeStruct((batch,), jnp.float32),
        scratch_types=[
            pltpu.VMEM((bpw,), jnp.int32),
            pltpu.VMEM((bpw,), jnp.int32),
            pltpu.VMEM((bpw,), jnp.int32),
            pltpu.VMEM((bpw,), jnp.int32),
            pltpu.VMEM((ch, PW), jnp.float32),
            pltpu.VMEM((ch, PW), jnp.float32),
            pltpu.VMEM((bpw,), jnp.float32),
            pltpu.VMEM((D * L,), jnp.float32),
            pltpu.VMEM((L,), jnp.float32),
            pltpu.SemaphoreType.DMA,
            pltpu.SemaphoreType.DMA,
        ],
        compiler_params=pltpu.CompilerParams(
            needs_layout_passes=False, use_tc_tiling_on_sc=False),
    )(functools.partial(_gmf_body, bpw=bpw))

    return k(user.astype(jnp.int32), item.astype(jnp.int32),
             ut4, it4, wb, bb)

# --- scband reference (transcript-rebuilt; emitter-appended) ---
"""Pipeline reference for scband-gmf-57629871177834 (READ-ONLY COPY).

The authoritative reference and input builder live on the scoring server;
editing this copy changes nothing except your own understanding.
"""

import jax, jax.numpy as jnp
import numpy as np

USER_NUM = 1000000
ITEM_NUM = 1000000
EMBED_DIM = 32
BATCH = 16384

def setup_inputs(seed: int = 0) -> dict:
    key = jax.random.key(seed)
    k_u, k_i, k_ue, k_ie, k_w, k_b = jax.random.split(key, 6)
    user = jax.random.randint(k_u, (BATCH,), 0, USER_NUM, dtype=jnp.int64 if jax.config.jax_enable_x64 else jnp.int32)
    item = jax.random.randint(k_i, (BATCH,), 0, ITEM_NUM, dtype=jnp.int64 if jax.config.jax_enable_x64 else jnp.int32)
    user_table = jax.random.normal(k_ue, (USER_NUM, EMBED_DIM), dtype=jnp.float32) * 0.01
    item_table = jax.random.normal(k_ie, (ITEM_NUM, EMBED_DIM), dtype=jnp.float32) * 0.01
    # nn.Linear(embedding_dim, 1): weight [1, embed_dim], bias [1]
    bound = 1.0 / np.sqrt(EMBED_DIM)
    W = jax.random.uniform(k_w, (1, EMBED_DIM), dtype=jnp.float32, minval=-bound, maxval=bound)
    b = jax.random.uniform(k_b, (1,), dtype=jnp.float32, minval=-bound, maxval=bound)
    return {"user": user, "item": item, "user_table": user_table, "item_table": item_table, "W": W, "b": b}

def reference(user, item, user_table, item_table, W, b):
    user_embedded = jnp.take(user_table, user, axis=0)      # [B, D]
    item_embedded = jnp.take(item_table, item, axis=0)      # [B, D]
    hadamard_product = user_embedded * item_embedded        # [B, D]
    output = hadamard_product @ W.T + b                     # [B, 1]
    return output.reshape(-1)                               # [B]

if __name__ == "__main__":
    import jax
    _d = setup_inputs()
    print(jax.jit(kernel)(*tuple(_d.values())))

</pallas_src>

<mosaic_0001>
#map = affine_map<(d0, d1) -> (0)>
#map1 = affine_map<(d0, d1) -> (0, 0)>
module attributes {stable_mosaic.version = 14 : i64} {
  func.func @_gmf_body(%arg0: i32, %arg1: i32, %arg2: memref<16384xi32, #tpu.memory_space<hbm>>, %arg3: memref<16384xi32, #tpu.memory_space<hbm>>, %arg4: memref<250880x128xf32, #tpu.memory_space<hbm>>, %arg5: memref<250880x128xf32, #tpu.memory_space<hbm>>, %arg6: memref<512xf32, #tpu.memory_space<hbm>>, %arg7: memref<16xf32, #tpu.memory_space<hbm>>, %arg8: memref<16384xf32, #tpu.memory_space<hbm>>, %arg9: memref<512xi32, #tpu.memory_space<vmem>>, %arg10: memref<512xi32, #tpu.memory_space<vmem>>, %arg11: memref<512xi32, #tpu.memory_space<vmem>>, %arg12: memref<512xi32, #tpu.memory_space<vmem>>, %arg13: memref<256x128xf32, #tpu.memory_space<vmem>>, %arg14: memref<256x128xf32, #tpu.memory_space<vmem>>, %arg15: memref<512xf32, #tpu.memory_space<vmem>>, %arg16: memref<512xf32, #tpu.memory_space<vmem>>, %arg17: memref<16xf32, #tpu.memory_space<vmem>>, %arg18: memref<!tpu.dma_semaphore, #tpu.memory_space<semaphore_mem>>, %arg19: memref<!tpu.dma_semaphore, #tpu.memory_space<semaphore_mem>>) attributes {dimension_semantics = [#tpu.dimension_semantics<core_parallel>, #tpu.dimension_semantics<subcore_parallel>], iteration_bounds = array<i64: 2, 16>, scalar_prefetch = 0 : i64, scratch_operands = 11 : i64, tpu.core_type = #tpu.core_type<sc_vector_subcore>, window_params = [{transform_indices = #map}, {transform_indices = #map}, {transform_indices = #map1}, {transform_indices = #map1}, {transform_indices = #map}, {transform_indices = #map}, {transform_indices = #map}]} {
    %mul3A = arith.constant 2 : i32
    %mul3A_0 = arith.muli %arg1, %mul3A : i32
    %add3A = arith.addi %mul3A_0, %arg0 : i32
    %mul3A_1 = arith.constant 512 : i32
    %mul3A_2 = arith.muli %add3A, %mul3A_1 : i32
    "tpu.region"() ({
      %run_scoped3A = tpu.sem_alloc : memref<!tpu.dma_semaphore, #tpu.memory_space<semaphore_mem>>
      %dma_start3A_129 = tpu.memref_slice %arg2[%mul3A_2] : memref<16384xi32, #tpu.memory_space<hbm>> -> memref<512xi32, #tpu.memory_space<hbm>>
      %dma_start3A_130 = tpu.memref_slice %arg2[%mul3A_2] : memref<16384xi32, #tpu.memory_space<hbm>> -> memref<512xi32, #tpu.memory_space<hbm>>
      tpu.enqueue_dma source(%dma_start3A_130 : memref<512xi32, #tpu.memory_space<hbm>>) target(%arg9 : memref<512xi32, #tpu.memory_space<vmem>>) target_semaphore(%run_scoped3A : memref<!tpu.dma_semaphore, #tpu.memory_space<semaphore_mem>>)
      %dma_wait3A_131 = tpu.memref_slice %arg2[%mul3A_2] : memref<16384xi32, #tpu.memory_space<hbm>> -> memref<512xi32, #tpu.memory_space<hbm>>
      %dma_wait3A_132 = tpu.memref_slice %arg2[%mul3A_2] : memref<16384xi32, #tpu.memory_space<hbm>> -> memref<512xi32, #tpu.memory_space<hbm>>
      tpu.wait_dma2 semaphore(%run_scoped3A : memref<!tpu.dma_semaphore, #tpu.memory_space<semaphore_mem>>) src(%dma_wait3A_132 : memref<512xi32, #tpu.memory_space<hbm>>) dst(%arg9 : memref<512xi32, #tpu.memory_space<vmem>>)
      tpu.yield
    }) : () -> ()
    "tpu.region"() ({
      %run_scoped3A = tpu.sem_alloc : memref<!tpu.dma_semaphore, #tpu.memory_space<semaphore_mem>>
      %dma_start3A_129 = tpu.memref_slice %arg3[%mul3A_2] : memref<16384xi32, #tpu.memory_space<hbm>> -> memref<512xi32, #tpu.memory_space<hbm>>
      %dma_start3A_130 = tpu.memref_slice %arg3[%mul3A_2] : memref<16384xi32, #tpu.memory_space<hbm>> -> memref<512xi32, #tpu.memory_space<hbm>>
      tpu.enqueue_dma source(%dma_start3A_130 : memref<512xi32, #tpu.memory_space<hbm>>) target(%arg10 : memref<512xi32, #tpu.memory_space<vmem>>) target_semaphore(%run_scoped3A : memref<!tpu.dma_semaphore, #tpu.memory_space<semaphore_mem>>)
      %dma_wait3A_131 = tpu.memref_slice %arg3[%mul3A_2] : memref<16384xi32, #tpu.memory_space<hbm>> -> memref<512xi32, #tpu.memory_space<hbm>>
      %dma_wait3A_132 = tpu.memref_slice %arg3[%mul3A_2] : memref<16384xi32, #tpu.memory_space<hbm>> -> memref<512xi32, #tpu.memory_space<hbm>>
      tpu.wait_dma2 semaphore(%run_scoped3A : memref<!tpu.dma_semaphore, #tpu.memory_space<semaphore_mem>>) src(%dma_wait3A_132 : memref<512xi32, #tpu.memory_space<hbm>>) dst(%arg10 : memref<512xi32, #tpu.memory_space<vmem>>)
      tpu.yield
    }) : () -> ()
    "tpu.region"() ({
      %run_scoped3A = tpu.sem_alloc : memref<!tpu.dma_semaphore, #tpu.memory_space<semaphore_mem>>
      tpu.enqueue_dma source(%arg6 : memref<512xf32, #tpu.memory_space<hbm>>) target(%arg16 : memref<512xf32, #tpu.memory_space<vmem>>) target_semaphore(%run_scoped3A : memref<!tpu.dma_semaphore, #tpu.memory_space<semaphore_mem>>)
      tpu.wait_dma2 semaphore(%run_scoped3A : memref<!tpu.dma_semaphore, #tpu.memory_space<semaphore_mem>>) src(%arg6 : memref<512xf32, #tpu.memory_space<hbm>>) dst(%arg16 : memref<512xf32, #tpu.memory_space<vmem>>)
      tpu.yield
    }) : () -> ()
    "tpu.region"() ({
      %run_scoped3A = tpu.sem_alloc : memref<!tpu.dma_semaphore, #tpu.memory_space<semaphore_mem>>
      tpu.enqueue_dma source(%arg7 : memref<16xf32, #tpu.memory_space<hbm>>) target(%arg17 : memref<16xf32, #tpu.memory_space<vmem>>) target_semaphore(%run_scoped3A : memref<!tpu.dma_semaphore, #tpu.memory_space<semaphore_mem>>)
      tpu.wait_dma2 semaphore(%run_scoped3A : memref<!tpu.dma_semaphore, #tpu.memory_space<semaphore_mem>>) src(%arg7 : memref<16xf32, #tpu.memory_space<hbm>>) dst(%arg17 : memref<16xf32, #tpu.memory_space<vmem>>)
      tpu.yield
    }) : () -> ()
    %scan3A = arith.constant 0 : i32
    %scan3A_3 = arith.constant 0 : i32
    %scan3A_4 = arith.constant 32 : i32
    %scan3A_5 = arith.addi %scan3A_3, %scan3A_4 : i32
    %scan3A_6 = arith.constant 1 : i32
    %scan3A_7 = scf.for %scan3A_129 = %scan3A_3 to %scan3A_5 step %scan3A_6 iter_args(%scan3A_130 = %scan3A) -> (i32)  : i32 {
      %mul3A_131 = arith.constant 16 : i32
      %mul3A_132 = arith.muli %scan3A_129, %mul3A_131 : i32
      %get3A_133 = arith.index_cast %mul3A_132 : i32 to index
      %get3A_134 = tpu.vector_load %arg9[%get3A_133] {strides = array<i32>} : memref<512xi32, #tpu.memory_space<vmem>>, vector<16xi32>,
      %shift_right_arithmetic3A = arith.constant 2 : i32
      %shift_right_arithmetic3A_135 = vector.broadcast %shift_right_arithmetic3A : i32 to vector<16xi32>
      %shift_right_arithmetic3A_136 = arith.shrsi %get3A_134, %shift_right_arithmetic3A_135 : vector<16xi32>
      %swap3A = arith.index_cast %mul3A_132 : i32 to index
      %swap3A_137 = tpu.vector_load %arg11[%swap3A] {strides = array<i32>} : memref<512xi32, #tpu.memory_space<vmem>>, vector<16xi32>,
      tpu.vector_store %arg11[%swap3A], %shift_right_arithmetic3A_136 {strides = array<i32>} : memref<512xi32, #tpu.memory_space<vmem>>, vector<16xi32>,
      %get3A_138 = arith.index_cast %mul3A_132 : i32 to index
      %get3A_139 = tpu.vector_load %arg10[%get3A_138] {strides = array<i32>} : memref<512xi32, #tpu.memory_space<vmem>>, vector<16xi32>,
      %shift_right_arithmetic3A_140 = arith.constant 2 : i32
      %shift_right_arithmetic3A_141 = vector.broadcast %shift_right_arithmetic3A_140 : i32 to vector<16xi32>
      %shift_right_arithmetic3A_142 = arith.shrsi %get3A_139, %shift_right_arithmetic3A_141 : vector<16xi32>
      %swap3A_143 = arith.index_cast %mul3A_132 : i32 to index
      %swap3A_144 = tpu.vector_load %arg12[%swap3A_143] {strides = array<i32>} : memref<512xi32, #tpu.memory_space<vmem>>, vector<16xi32>,
      tpu.vector_store %arg12[%swap3A_143], %shift_right_arithmetic3A_142 {strides = array<i32>} : memref<512xi32, #tpu.memory_space<vmem>>, vector<16xi32>,
      %scan3A_145 = arith.constant 0 : i32
      scf.yield %scan3A_145 : i32
    }
    %scan3A_8 = arith.constant 32 : i32
    %get3A = arith.constant 0 : index
    %get3A_9 = tpu.vector_load %arg16[%get3A] {strides = array<i32>} : memref<512xf32, #tpu.memory_space<vmem>>, vector<16xf32>,
    %get3A_10 = arith.constant 16 : index
    %get3A_11 = tpu.vector_load %arg16[%get3A_10] {strides = array<i32>} : memref<512xf32, #tpu.memory_space<vmem>>, vector<16xf32>,
    %get3A_12 = arith.constant 32 : index
    %get3A_13 = tpu.vector_load %arg16[%get3A_12] {strides = array<i32>} : memref<512xf32, #tpu.memory_space<vmem>>, vector<16xf32>,
    %get3A_14 = arith.constant 48 : index
    %get3A_15 = tpu.vector_load %arg16[%get3A_14] {strides = array<i32>} : memref<512xf32, #tpu.memory_space<vmem>>, vector<16xf32>,
    %get3A_16 = arith.constant 64 : index
    %get3A_17 = tpu.vector_load %arg16[%get3A_16] {strides = array<i32>} : memref<512xf32, #tpu.memory_space<vmem>>, vector<16xf32>,
    %get3A_18 = arith.constant 80 : index
    %get3A_19 = tpu.vector_load %arg16[%get3A_18] {strides = array<i32>} : memref<512xf32, #tpu.memory_space<vmem>>, vector<16xf32>,
    %get3A_20 = arith.constant 96 : index
    %get3A_21 = tpu.vector_load %arg16[%get3A_20] {strides = array<i32>} : memref<512xf32, #tpu.memory_space<vmem>>, vector<16xf32>,
    %get3A_22 = arith.constant 112 : index
    %get3A_23 = tpu.vector_load %arg16[%get3A_22] {strides = array<i32>} : memref<512xf32, #tpu.memory_space<vmem>>, vector<16xf32>,
    %get3A_24 = arith.constant 128 : index
    %get3A_25 = tpu.vector_load %arg16[%get3A_24] {strides = array<i32>} : memref<512xf32, #tpu.memory_space<vmem>>, vector<16xf32>,
    %get3A_26 = arith.constant 144 : index
    %get3A_27 = tpu.vector_load %arg16[%get3A_26] {strides = array<i32>} : memref<512xf32, #tpu.memory_space<vmem>>, vector<16xf32>,
    %get3A_28 = arith.constant 160 : index
    %get3A_29 = tpu.vector_load %arg16[%get3A_28] {strides = array<i32>} : memref<512xf32, #tpu.memory_space<vmem>>, vector<16xf32>,
    %get3A_30 = arith.constant 176 : index
    %get3A_31 = tpu.vector_load %arg16[%get3A_30] {strides = array<i32>} : memref<512xf32, #tpu.memory_space<vmem>>, vector<16xf32>,
    %get3A_32 = arith.constant 192 : index
    %get3A_33 = tpu.vector_load %arg16[%get3A_32] {strides = array<i32>} : memref<512xf32, #tpu.memory_space<vmem>>, vector<16xf32>,
    %get3A_34 = arith.constant 208 : index
    %get3A_35 = tpu.vector_load %arg16[%get3A_34] {strides = array<i32>} : memref<512xf32, #tpu.memory_space<vmem>>, vector<16xf32>,
    %get3A_36 = arith.constant 224 : index
    %get3A_37 = tpu.vector_load %arg16[%get3A_36] {strides = array<i32>} : memref<512xf32, #tpu.memory_space<vmem>>, vector<16xf32>,
    %get3A_38 = arith.constant 240 : index
    %get3A_39 = tpu.vector_load %arg16[%get3A_38] {strides = array<i32>} : memref<512xf32, #tpu.memory_space<vmem>>, vector<16xf32>,
    %get3A_40 = arith.constant 256 : index
    %get3A_41 = tpu.vector_load %arg16[%get3A_40] {strides = array<i32>} : memref<512xf32, #tpu.memory_space<vmem>>, vector<16xf32>,
    %get3A_42 = arith.constant 272 : index
    %get3A_43 = tpu.vector_load %arg16[%get3A_42] {strides = array<i32>} : memref<512xf32, #tpu.memory_space<vmem>>, vector<16xf32>,
    %get3A_44 = arith.constant 288 : index
    %get3A_45 = tpu.vector_load %arg16[%get3A_44] {strides = array<i32>} : memref<512xf32, #tpu.memory_space<vmem>>, vector<16xf32>,
    %get3A_46 = arith.constant 304 : index
    %get3A_47 = tpu.vector_load %arg16[%get3A_46] {strides = array<i32>} : memref<512xf32, #tpu.memory_space<vmem>>, vector<16xf32>,
    %get3A_48 = arith.constant 320 : index
    %get3A_49 = tpu.vector_load %arg16[%get3A_48] {strides = array<i32>} : memref<512xf32, #tpu.memory_space<vmem>>, vector<16xf32>,
    %get3A_50 = arith.constant 336 : index
    %get3A_51 = tpu.vector_load %arg16[%get3A_50] {strides = array<i32>} : memref<512xf32, #tpu.memory_space<vmem>>, vector<16xf32>,
    %get3A_52 = arith.constant 352 : index
    %get3A_53 = tpu.vector_load %arg16[%get3A_52] {strides = array<i32>} : memref<512xf32, #tpu.memory_space<vmem>>, vector<16xf32>,
    %get3A_54 = arith.constant 368 : index
    %get3A_55 = tpu.vector_load %arg16[%get3A_54] {strides = array<i32>} : memref<512xf32, #tpu.memory_space<vmem>>, vector<16xf32>,
    %get3A_56 = arith.constant 384 : index
    %get3A_57 = tpu.vector_load %arg16[%get3A_56] {strides = array<i32>} : memref<512xf32, #tpu.memory_space<vmem>>, vector<16xf32>,
    %get3A_58 = arith.constant 400 : index
    %get3A_59 = tpu.vector_load %arg16[%get3A_58] {strides = array<i32>} : memref<512xf32, #tpu.memory_space<vmem>>, vector<16xf32>,
    %get3A_60 = arith.constant 416 : index
    %get3A_61 = tpu.vector_load %arg16[%get3A_60] {strides = array<i32>} : memref<512xf32, #tpu.memory_space<vmem>>, vector<16xf32>,
    %get3A_62 = arith.constant 432 : index
    %get3A_63 = tpu.vector_load %arg16[%get3A_62] {strides = array<i32>} : memref<512xf32, #tpu.memory_space<vmem>>, vector<16xf32>,
    %get3A_64 = arith.constant 448 : index
    %get3A_65 = tpu.vector_load %arg16[%get3A_64] {strides = array<i32>} : memref<512xf32, #tpu.memory_space<vmem>>, vector<16xf32>,
    %get3A_66 = arith.constant 464 : index
    %get3A_67 = tpu.vector_load %arg16[%get3A_66] {strides = array<i32>} : memref<512xf32, #tpu.memory_space<vmem>>, vector<16xf32>,
    %get3A_68 = arith.constant 480 : index
    %get3A_69 = tpu.vector_load %arg16[%get3A_68] {strides = array<i32>} : memref<512xf32, #tpu.memory_space<vmem>>, vector<16xf32>,
    %get3A_70 = arith.constant 496 : index
    %get3A_71 = tpu.vector_load %arg16[%get3A_70] {strides = array<i32>} : memref<512xf32, #tpu.memory_space<vmem>>, vector<16xf32>,
    %get3A_72 = arith.constant 0 : index
    %get3A_73 = tpu.vector_load %arg17[%get3A_72] {strides = array<i32>} : memref<16xf32, #tpu.memory_space<vmem>>, vector<16xf32>,
    %iota3A = tpu.iota {dimensions = array<i32: 0>} : vector<16xi32>
    %broadcast_in_dim3A = arith.constant 3 : i32
    %broadcast_in_dim3A_74 = vector.broadcast %broadcast_in_dim3A : i32 to vector<16xi32>
    %broadcast_in_dim3A_75 = arith.constant 32 : i32
    %broadcast_in_dim3A_76 = vector.broadcast %broadcast_in_dim3A_75 : i32 to vector<16xi32>
    %dma_start3A = arith.constant 0 : i32
    %dma_start3A_77 = tpu.memref_slice %arg11[%dma_start3A] : memref<512xi32, #tpu.memory_space<vmem>> -> memref<256xi32, #tpu.memory_space<vmem>>
    %dma_start3A_78 = arith.constant 0 : i32
    %dma_start3A_79 = arith.constant 0 : i32
    %dma_start3A_80 = tpu.memref_slice %arg4[%dma_start3A_78, %dma_start3A_79] : memref<250880x128xf32, #tpu.memory_space<hbm>> -> memref<250880x128xf32, #tpu.memory_space<hbm>>
    tpu.enqueue_indirect_dma source(%dma_start3A_80 : memref<250880x128xf32, #tpu.memory_space<hbm>>) target(%arg13 : memref<256x128xf32, #tpu.memory_space<vmem>>) offsets(%dma_start3A_77 : memref<256xi32, #tpu.memory_space<vmem>>) semaphore(%arg18 : memref<!tpu.dma_semaphore, #tpu.memory_space<semaphore_mem>>)
    %dma_start3A_81 = arith.constant 0 : i32
    %dma_start3A_82 = tpu.memref_slice %arg12[%dma_start3A_81] : memref<512xi32, #tpu.memory_space<vmem>> -> memref<256xi32, #tpu.memory_space<vmem>>
    %dma_start3A_83 = arith.constant 0 : i32
    %dma_start3A_84 = arith.constant 0 : i32
    %dma_start3A_85 = tpu.memref_slice %arg5[%dma_start3A_83, %dma_start3A_84] : memref<250880x128xf32, #tpu.memory_space<hbm>> -> memref<250880x128xf32, #tpu.memory_space<hbm>>
    tpu.enqueue_indirect_dma source(%dma_start3A_85 : memref<250880x128xf32, #tpu.memory_space<hbm>>) target(%arg14 : memref<256x128xf32, #tpu.memory_space<vmem>>) offsets(%dma_start3A_82 : memref<256xi32, #tpu.memory_space<vmem>>) semaphore(%arg19 : memref<!tpu.dma_semaphore, #tpu.memory_space<semaphore_mem>>)
    %dma_wait3A = arith.constant 0 : i32
    %dma_wait3A_86 = tpu.memref_slice %arg11[%dma_wait3A] : memref<512xi32, #tpu.memory_space<vmem>> -> memref<256xi32, #tpu.memory_space<vmem>>
    %dma_wait3A_87 = arith.constant 0 : i32
    %dma_wait3A_88 = arith.constant 0 : i32
    %dma_wait3A_89 = tpu.memref_slice %arg4[%dma_wait3A_87, %dma_wait3A_88] : memref<250880x128xf32, #tpu.memory_space<hbm>> -> memref<250880x128xf32, #tpu.memory_space<hbm>>
    tpu.wait_indirect_dma semaphore(%arg18 : memref<!tpu.dma_semaphore, #tpu.memory_space<semaphore_mem>>) src(%dma_wait3A_89 : memref<250880x128xf32, #tpu.memory_space<hbm>>) dst(%arg13 : memref<256x128xf32, #tpu.memory_space<vmem>>)
    %dma_wait3A_90 = arith.constant 0 : i32
    %dma_wait3A_91 = tpu.memref_slice %arg12[%dma_wait3A_90] : memref<512xi32, #tpu.memory_space<vmem>> -> memref<256xi32, #tpu.memory_space<vmem>>
    %dma_wait3A_92 = arith.constant 0 : i32
    %dma_wait3A_93 = arith.constant 0 : i32
    %dma_wait3A_94 = tpu.memref_slice %arg5[%dma_wait3A_92, %dma_wait3A_93] : memref<250880x128xf32, #tpu.memory_space<hbm>> -> memref<250880x128xf32, #tpu.memory_space<hbm>>
    tpu.wait_indirect_dma semaphore(%arg19 : memref<!tpu.dma_semaphore, #tpu.memory_space<semaphore_mem>>) src(%dma_wait3A_94 : memref<250880x128xf32, #tpu.memory_space<hbm>>) dst(%arg14 : memref<256x128xf32, #tpu.memory_space<vmem>>)
    %scan3A_95 = arith.constant 0 : i32
    %scan3A_96 = arith.constant 0 : i32
    %scan3A_97 = arith.constant 16 : i32
    %scan3A_98 = arith.addi %scan3A_96, %scan3A_97 : i32
    %scan3A_99 = arith.constant 1 : i32
    %scan3A_100 = scf.for %scan3A_129 = %scan3A_96 to %scan3A_98 step %scan3A_99 iter_args(%scan3A_130 = %scan3A_95) -> (i32)  : i32 {
      %mul3A_131 = arith.constant 16 : i32
      %mul3A_132 = arith.muli %scan3A_129, %mul3A_131 : i32
      %add3A_133 = arith.constant 0 : i32
      %add3A_134 = arith.addi %add3A_133, %mul3A_132 : i32
      %mul3A_135 = arith.constant 16 : i32
      %mul3A_136 = arith.muli %scan3A_129, %mul3A_135 : i32
      %add3A_137 = vector.broadcast %mul3A_136 : i32 to vector<16xi32>
      %add3A_138 = arith.addi %add3A_137, %iota3A : vector<16xi32>
      %get3A_139 = arith.index_cast %add3A_134 : i32 to index
      %get3A_140 = tpu.vector_load %arg9[%get3A_139] {strides = array<i32>} : memref<512xi32, #tpu.memory_space<vmem>>, vector<16xi32>,
      %and3A = arith.andi %get3A_140, %broadcast_in_dim3A_74 : vector<16xi32>
      %mul3A_141 = arith.muli %and3A, %broadcast_in_dim3A_76 : vector<16xi32>
      %get3A_142 = arith.index_cast %add3A_134 : i32 to index
      %get3A_143 = tpu.vector_load %arg10[%get3A_142] {strides = array<i32>} : memref<512xi32, #tpu.memory_space<vmem>>, vector<16xi32>,
      %and3A_144 = arith.andi %get3A_143, %broadcast_in_dim3A_74 : vector<16xi32>
      %mul3A_145 = arith.muli %and3A_144, %broadcast_in_dim3A_76 : vector<16xi32>
      %broadcast_in_dim3A_146 = arith.constant 0 : i32
      %broadcast_in_dim3A_147 = vector.broadcast %broadcast_in_dim3A_146 : i32 to vector<16xi32>
      %add3A_148 = arith.addi %mul3A_141, %broadcast_in_dim3A_147 : vector<16xi32>
      %gather3A = tpu.vector_load_idx %arg13[%add3A_138, %add3A_148] : memref<256x128xf32, #tpu.memory_space<vmem>>[vector<16xi32>, vector<16xi32>], vector<16xf32>,
      %add3A_149 = arith.addi %mul3A_145, %broadcast_in_dim3A_147 : vector<16xi32>
      %gather3A_150 = tpu.vector_load_idx %arg14[%add3A_138, %add3A_149] : memref<256x128xf32, #tpu.memory_space<vmem>>[vector<16xi32>, vector<16xi32>], vector<16xf32>,
      %mul3A_151 = arith.mulf %gather3A, %gather3A_150 : vector<16xf32>
      %mul3A_152 = arith.mulf %mul3A_151, %get3A_9 : vector<16xf32>
      %add3A_153 = arith.addf %get3A_73, %mul3A_152 : vector<16xf32>
      %broadcast_in_dim3A_154 = arith.constant 1 : i32
      %broadcast_in_dim3A_155 = vector.broadcast %broadcast_in_dim3A_154 : i32 to vector<16xi32>
      %add3A_156 = arith.addi %mul3A_141, %broadcast_in_dim3A_155 : vector<16xi32>
      %gather3A_157 = tpu.vector_load_idx %arg13[%add3A_138, %add3A_156] : memref<256x128xf32, #tpu.memory_space<vmem>>[vector<16xi32>, vector<16xi32>], vector<16xf32>,
      %add3A_158 = arith.addi %mul3A_145, %broadcast_in_dim3A_155 : vector<16xi32>
      %gather3A_159 = tpu.vector_load_idx %arg14[%add3A_138, %add3A_158] : memref<256x128xf32, #tpu.memory_space<vmem>>[vector<16xi32>, vector<16xi32>], vector<16xf32>,
      %mul3A_160 = arith.mulf %gather3A_157, %gather3A_159 : vector<16xf32>
      %mul3A_161 = arith.mulf %mul3A_160, %get3A_11 : vector<16xf32>
      %add3A_162 = arith.addf %add3A_153, %mul3A_161 : vector<16xf32>
      %broadcast_in_dim3A_163 = arith.constant 2 : i32
      %broadcast_in_dim3A_164 = vector.broadcast %broadcast_in_dim3A_163 : i32 to vector<16xi32>
      %add3A_165 = arith.addi %mul3A_141, %broadcast_in_dim3A_164 : vector<16xi32>
      %gather3A_166 = tpu.vector_load_idx %arg13[%add3A_138, %add3A_165] : memref<256x128xf32, #tpu.memory_space<vmem>>[vector<16xi32>, vector<16xi32>], vector<16xf32>,
      %add3A_167 = arith.addi %mul3A_145, %broadcast_in_dim3A_164 : vector<16xi32>
      %gather3A_168 = tpu.vector_load_idx %arg14[%add3A_138, %add3A_167] : memref<256x128xf32, #tpu.memory_space<vmem>>[vector<16xi32>, vector<16xi32>], vector<16xf32>,
      %mul3A_169 = arith.mulf %gather3A_166, %gather3A_168 : vector<16xf32>
      %mul3A_170 = arith.mulf %mul3A_169, %get3A_13 : vector<16xf32>
      %add3A_171 = arith.addf %add3A_162, %mul3A_170 : vector<16xf32>
      %broadcast_in_dim3A_172 = arith.constant 3 : i32
      %broadcast_in_dim3A_173 = vector.broadcast %broadcast_in_dim3A_172 : i32 to vector<16xi32>
      %add3A_174 = arith.addi %mul3A_141, %broadcast_in_dim3A_173 : vector<16xi32>
      %gather3A_175 = tpu.vector_load_idx %arg13[%add3A_138, %add3A_174] : memref<256x128xf32, #tpu.memory_space<vmem>>[vector<16xi32>, vector<16xi32>], vector<16xf32>,
      %add3A_176 = arith.addi %mul3A_145, %broadcast_in_dim3A_173 : vector<16xi32>
      %gather3A_177 = tpu.vector_load_idx %arg14[%add3A_138, %add3A_176] : memref<256x128xf32, #tpu.memory_space<vmem>>[vector<16xi32>, vector<16xi32>], vector<16xf32>,
      %mul3A_178 = arith.mulf %gather3A_175, %gather3A_177 : vector<16xf32>
      %mul3A_179 = arith.mulf %mul3A_178, %get3A_15 : vector<16xf32>
      %add3A_180 = arith.addf %add3A_171, %mul3A_179 : vector<16xf32>
      %broadcast_in_dim3A_181 = arith.constant 4 : i32
      %broadcast_in_dim3A_182 = vector.broadcast %broadcast_in_dim3A_181 : i32 to vector<16xi32>
      %add3A_183 = arith.addi %mul3A_141, %broadcast_in_dim3A_182 : vector<16xi32>
      %gather3A_184 = tpu.vector_load_idx %arg13[%add3A_138, %add3A_183] : memref<256x128xf32, #tpu.memory_space<vmem>>[vector<16xi32>, vector<16xi32>], vector<16xf32>,
      %add3A_185 = arith.addi %mul3A_145, %broadcast_in_dim3A_182 : vector<16xi32>
      %gather3A_186 = tpu.vector_load_idx %arg14[%add3A_138, %add3A_185] : memref<256x128xf32, #tpu.memory_space<vmem>>[vector<16xi32>, vector<16xi32>], vector<16xf32>,
      %mul3A_187 = arith.mulf %gather3A_184, %gather3A_186 : vector<16xf32>
      %mul3A_188 = arith.mulf %mul3A_187, %get3A_17 : vector<16xf32>
      %add3A_189 = arith.addf %add3A_180, %mul3A_188 : vector<16xf32>
      %broadcast_in_dim3A_190 = arith.constant 5 : i32
      %broadcast_in_dim3A_191 = vector.broadcast %broadcast_in_dim3A_190 : i32 to vector<16xi32>
      %add3A_192 = arith.addi %mul3A_141, %broadcast_in_dim3A_191 : vector<16xi32>
      %gather3A_193 = tpu.vector_load_idx %arg13[%add3A_138, %add3A_192] : memref<256x128xf32, #tpu.memory_space<vmem>>[vector<16xi32>, vector<16xi32>], vector<16xf32>,
      %add3A_194 = arith.addi %mul3A_145, %broadcast_in_dim3A_191 : vector<16xi32>
      %gather3A_195 = tpu.vector_load_idx %arg14[%add3A_138, %add3A_194] : memref<256x128xf32, #tpu.memory_space<vmem>>[vector<16xi32>, vector<16xi32>], vector<16xf32>,
      %mul3A_196 = arith.mulf %gather3A_193, %gather3A_195 : vector<16xf32>
      %mul3A_197 = arith.mulf %mul3A_196, %get3A_19 : vector<16xf32>
      %add3A_198 = arith.addf %add3A_189, %mul3A_197 : vector<16xf32>
      %broadcast_in_dim3A_199 = arith.constant 6 : i32
      %broadcast_in_dim3A_200 = vector.broadcast %broadcast_in_dim3A_199 : i32 to vector<16xi32>
      %add3A_201 = arith.addi %mul3A_141, %broadcast_in_dim3A_200 : vector<16xi32>
      %gather3A_202 = tpu.vector_load_idx %arg13[%add3A_138, %add3A_201] : memref<256x128xf32, #tpu.memory_space<vmem>>[vector<16xi32>, vector<16xi32>], vector<16xf32>,
      %add3A_203 = arith.addi %mul3A_145, %broadcast_in_dim3A_200 : vector<16xi32>
      %gather3A_204 = tpu.vector_load_idx %arg14[%add3A_138, %add3A_203] : memref<256x128xf32, #tpu.memory_space<vmem>>[vector<16xi32>, vector<16xi32>], vector<16xf32>,
      %mul3A_205 = arith.mulf %gather3A_202, %gather3A_204 : vector<16xf32>
      %mul3A_206 = arith.mulf %mul3A_205, %get3A_21 : vector<16xf32>
      %add3A_207 = arith.addf %add3A_198, %mul3A_206 : vector<16xf32>
      %broadcast_in_dim3A_208 = arith.constant 7 : i32
      %broadcast_in_dim3A_209 = vector.broadcast %broadcast_in_dim3A_208 : i32 to vector<16xi32>
      %add3A_210 = arith.addi %mul3A_141, %broadcast_in_dim3A_209 : vector<16xi32>
      %gather3A_211 = tpu.vector_load_idx %arg13[%add3A_138, %add3A_210] : memref<256x128xf32, #tpu.memory_space<vmem>>[vector<16xi32>, vector<16xi32>], vector<16xf32>,
      %add3A_212 = arith.addi %mul3A_145, %broadcast_in_dim3A_209 : vector<16xi32>
      %gather3A_213 = tpu.vector_load_idx %arg14[%add3A_138, %add3A_212] : memref<256x128xf32, #tpu.memory_space<vmem>>[vector<16xi32>, vector<16xi32>], vector<16xf32>,
      %mul3A_214 = arith.mulf %gather3A_211, %gather3A_213 : vector<16xf32>
      %mul3A_215 = arith.mulf %mul3A_214, %get3A_23 : vector<16xf32>
      %add3A_216 = arith.addf %add3A_207, %mul3A_215 : vector<16xf32>
      %broadcast_in_dim3A_217 = arith.constant 8 : i32
      %broadcast_in_dim3A_218 = vector.broadcast %broadcast_in_dim3A_217 : i32 to vector<16xi32>
      %add3A_219 = arith.addi %mul3A_141, %broadcast_in_dim3A_218 : vector<16xi32>
      %gather3A_220 = tpu.vector_load_idx %arg13[%add3A_138, %add3A_219] : memref<256x128xf32, #tpu.memory_space<vmem>>[vector<16xi32>, vector<16xi32>], vector<16xf32>,
      %add3A_221 = arith.addi %mul3A_145, %broadcast_in_dim3A_218 : vector<16xi32>
      %gather3A_222 = tpu.vector_load_idx %arg14[%add3A_138, %add3A_221] : memref<256x128xf32, #tpu.memory_space<vmem>>[vector<16xi32>, vector<16xi32>], vector<16xf32>,
      %mul3A_223 = arith.mulf %gather3A_220, %gather3A_222 : vector<16xf32>
      %mul3A_224 = arith.mulf %mul3A_223, %get3A_25 : vector<16xf32>
      %add3A_225 = arith.addf %add3A_216, %mul3A_224 : vector<16xf32>
      %broadcast_in_dim3A_226 = arith.constant 9 : i32
      %broadcast_in_dim3A_227 = vector.broadcast %broadcast_in_dim3A_226 : i32 to vector<16xi32>
      %add3A_228 = arith.addi %mul3A_141, %broadcast_in_dim3A_227 : vector<16xi32>
      %gather3A_229 = tpu.vector_load_idx %arg13[%add3A_138, %add3A_228] : memref<256x128xf32, #tpu.memory_space<vmem>>[vector<16xi32>, vector<16xi32>], vector<16xf32>,
      %add3A_230 = arith.addi %mul3A_145, %broadcast_in_dim3A_227 : vector<16xi32>
      %gather3A_231 = tpu.vector_load_idx %arg14[%add3A_138, %add3A_230] : memref<256x128xf32, #tpu.memory_space<vmem>>[vector<16xi32>, vector<16xi32>], vector<16xf32>,
      %mul3A_232 = arith.mulf %gather3A_229, %gather3A_231 : vector<16xf32>
      %mul3A_233 = arith.mulf %mul3A_232, %get3A_27 : vector<16xf32>
      %add3A_234 = arith.addf %add3A_225, %mul3A_233 : vector<16xf32>
      %broadcast_in_dim3A_235 = arith.constant 10 : i32
      %broadcast_in_dim3A_236 = vector.broadcast %broadcast_in_dim3A_235 : i32 to vector<16xi32>
      %add3A_237 = arith.addi %mul3A_141, %broadcast_in_dim3A_236 : vector<16xi32>
      %gather3A_238 = tpu.vector_load_idx %arg13[%add3A_138, %add3A_237] : memref<256x128xf32, #tpu.memory_space<vmem>>[vector<16xi32>, vector<16xi32>], vector<16xf32>,
      %add3A_239 = arith.addi %mul3A_145, %broadcast_in_dim3A_236 : vector<16xi32>
      %gather3A_240 = tpu.vector_load_idx %arg14[%add3A_138, %add3A_239] : memref<256x128xf32, #tpu.memory_space<vmem>>[vector<16xi32>, vector<16xi32>], vector<16xf32>,
      %mul3A_241 = arith.mulf %gather3A_238, %gather3A_240 : vector<16xf32>
      %mul3A_242 = arith.mulf %mul3A_241, %get3A_29 : vector<16xf32>
      %add3A_243 = arith.addf %add3A_234, %mul3A_242 : vector<16xf32>
      %broadcast_in_dim3A_244 = arith.constant 11 : i32
      %broadcast_in_dim3A_245 = vector.broadcast %broadcast_in_dim3A_244 : i32 to vector<16xi32>
      %add3A_246 = arith.addi %mul3A_141, %broadcast_in_dim3A_245 : vector<16xi32>
      %gather3A_247 = tpu.vector_load_idx %arg13[%add3A_138, %add3A_246] : memref<256x128xf32, #tpu.memory_space<vmem>>[vector<16xi32>, vector<16xi32>], vector<16xf32>,
      %add3A_248 = arith.addi %mul3A_145, %broadcast_in_dim3A_245 : vector<16xi32>
      %gather3A_249 = tpu.vector_load_idx %arg14[%add3A_138, %add3A_248] : memref<256x128xf32, #tpu.memory_space<vmem>>[vector<16xi32>, vector<16xi32>], vector<16xf32>,
      %mul3A_250 = arith.mulf %gather3A_247, %gather3A_249 : vector<16xf32>
      %mul3A_251 = arith.mulf %mul3A_250, %get3A_31 : vector<16xf32>
      %add3A_252 = arith.addf %add3A_243, %mul3A_251 : vector<16xf32>
      %broadcast_in_dim3A_253 = arith.constant 12 : i32
      %broadcast_in_dim3A_254 = vector.broadcast %broadcast_in_dim3A_253 : i32 to vector<16xi32>
      %add3A_255 = arith.addi %mul3A_141, %broadcast_in_dim3A_254 : vector<16xi32>
      %gather3A_256 = tpu.vector_load_idx %arg13[%add3A_138, %add3A_255] : memref<256x128xf32, #tpu.memory_space<vmem>>[vector<16xi32>, vector<16xi32>], vector<16xf32>,
      %add3A_257 = arith.addi %mul3A_145, %broadcast_in_dim3A_254 : vector<16xi32>
      %gather3A_258 = tpu.vector_load_idx %arg14[%add3A_138, %add3A_257] : memref<256x128xf32, #tpu.memory_space<vmem>>[vector<16xi32>, vector<16xi32>], vector<16xf32>,
      %mul3A_259 = arith.mulf %gather3A_256, %gather3A_258 : vector<16xf32>
      %mul3A_260 = arith.mulf %mul3A_259, %get3A_33 : vector<16xf32>
      %add3A_261 = arith.addf %add3A_252, %mul3A_260 : vector<16xf32>
      %broadcast_in_dim3A_262 = arith.constant 13 : i32
      %broadcast_in_dim3A_263 = vector.broadcast %broadcast_in_dim3A_262 : i32 to vector<16xi32>
      %add3A_264 = arith.addi %mul3A_141, %broadcast_in_dim3A_263 : vector<16xi32>
      %gather3A_265 = tpu.vector_load_idx %arg13[%add3A_138, %add3A_264] : memref<256x128xf32, #tpu.memory_space<vmem>>[vector<16xi32>, vector<16xi32>], vector<16xf32>,
      %add3A_266 = arith.addi %mul3A_145, %broadcast_in_dim3A_263 : vector<16xi32>
      %gather3A_267 = tpu.vector_load_idx %arg14[%add3A_138, %add3A_266] : memref<256x128xf32, #tpu.memory_space<vmem>>[vector<16xi32>, vector<16xi32>], vector<16xf32>,
      %mul3A_268 = arith.mulf %gather3A_265, %gather3A_267 : vector<16xf32>
      %mul3A_269 = arith.mulf %mul3A_268, %get3A_35 : vector<16xf32>
      %add3A_270 = arith.addf %add3A_261, %mul3A_269 : vector<16xf32>
      %broadcast_in_dim3A_271 = arith.constant 14 : i32
      %broadcast_in_dim3A_272 = vector.broadcast %broadcast_in_dim3A_271 : i32 to vector<16xi32>
      %add3A_273 = arith.addi %mul3A_141, %broadcast_in_dim3A_272 : vector<16xi32>
      %gather3A_274 = tpu.vector_load_idx %arg13[%add3A_138, %add3A_273] : memref<256x128xf32, #tpu.memory_space<vmem>>[vector<16xi32>, vector<16xi32>], vector<16xf32>,
      %add3A_275 = arith.addi %mul3A_145, %broadcast_in_dim3A_272 : vector<16xi32>
      %gather3A_276 = tpu.vector_load_idx %arg14[%add3A_138, %add3A_275] : memref<256x128xf32, #tpu.memory_space<vmem>>[vector<16xi32>, vector<16xi32>], vector<16xf32>,
      %mul3A_277 = arith.mulf %gather3A_274, %gather3A_276 : vector<16xf32>
      %mul3A_278 = arith.mulf %mul3A_277, %get3A_37 : vector<16xf32>
      %add3A_279 = arith.addf %add3A_270, %mul3A_278 : vector<16xf32>
      %broadcast_in_dim3A_280 = arith.constant 15 : i32
      %broadcast_in_dim3A_281 = vector.broadcast %broadcast_in_dim3A_280 : i32 to vector<16xi32>
      %add3A_282 = arith.addi %mul3A_141, %broadcast_in_dim3A_281 : vector<16xi32>
      %gather3A_283 = tpu.vector_load_idx %arg13[%add3A_138, %add3A_282] : memref<256x128xf32, #tpu.memory_space<vmem>>[vector<16xi32>, vector<16xi32>], vector<16xf32>,
      %add3A_284 = arith.addi %mul3A_145, %broadcast_in_dim3A_281 : vector<16xi32>
      %gather3A_285 = tpu.vector_load_idx %arg14[%add3A_138, %add3A_284] : memref<256x128xf32, #tpu.memory_space<vmem>>[vector<16xi32>, vector<16xi32>], vector<16xf32>,
      %mul3A_286 = arith.mulf %gather3A_283, %gather3A_285 : vector<16xf32>
      %mul3A_287 = arith.mulf %mul3A_286, %get3A_39 : vector<16xf32>
      %add3A_288 = arith.addf %add3A_279, %mul3A_287 : vector<16xf32>
      %broadcast_in_dim3A_289 = arith.constant 16 : i32
      %broadcast_in_dim3A_290 = vector.broadcast %broadcast_in_dim3A_289 : i32 to vector<16xi32>
      %add3A_291 = arith.addi %mul3A_141, %broadcast_in_dim3A_290 : vector<16xi32>
      %gather3A_292 = tpu.vector_load_idx %arg13[%add3A_138, %add3A_291] : memref<256x128xf32, #tpu.memory_space<vmem>>[vector<16xi32>, vector<16xi32>], vector<16xf32>,
      %add3A_293 = arith.addi %mul3A_145, %broadcast_in_dim3A_290 : vector<16xi32>
      %gather3A_294 = tpu.vector_load_idx %arg14[%add3A_138, %add3A_293] : memref<256x128xf32, #tpu.memory_space<vmem>>[vector<16xi32>, vector<16xi32>], vector<16xf32>,
      %mul3A_295 = arith.mulf %gather3A_292, %gather3A_294 : vector<16xf32>
      %mul3A_296 = arith.mulf %mul3A_295, %get3A_41 : vector<16xf32>
      %add3A_297 = arith.addf %add3A_288, %mul3A_296 : vector<16xf32>
      %broadcast_in_dim3A_298 = arith.constant 17 : i32
      %broadcast_in_dim3A_299 = vector.broadcast %broadcast_in_dim3A_298 : i32 to vector<16xi32>
      %add3A_300 = arith.addi %mul3A_141, %broadcast_in_dim3A_299 : vector<16xi32>
      %gather3A_301 = tpu.vector_load_idx %arg13[%add3A_138, %add3A_300] : memref<256x128xf32, #tpu.memory_space<vmem>>[vector<16xi32>, vector<16xi32>], vector<16xf32>,
      %add3A_302 = arith.addi %mul3A_145, %broadcast_in_dim3A_299 : vector<16xi32>
      %gather3A_303 = tpu.vector_load_idx %arg14[%add3A_138, %add3A_302] : memref<256x128xf32, #tpu.memory_space<vmem>>[vector<16xi32>, vector<16xi32>], vector<16xf32>,
      %mul3A_304 = arith.mulf %gather3A_301, %gather3A_303 : vector<16xf32>
      %mul3A_305 = arith.mulf %mul3A_304, %get3A_43 : vector<16xf32>
      %add3A_306 = arith.addf %add3A_297, %mul3A_305 : vector<16xf32>
      %broadcast_in_dim3A_307 = arith.constant 18 : i32
      %broadcast_in_dim3A_308 = vector.broadcast %broadcast_in_dim3A_307 : i32 to vector<16xi32>
      %add3A_309 = arith.addi %mul3A_141, %broadcast_in_dim3A_308 : vector<16xi32>
      %gather3A_310 = tpu.vector_load_idx %arg13[%add3A_138, %add3A_309] : memref<256x128xf32, #tpu.memory_space<vmem>>[vector<16xi32>, vector<16xi32>], vector<16xf32>,
      %add3A_311 = arith.addi %mul3A_145, %broadcast_in_dim3A_308 : vector<16xi32>
      %gather3A_312 = tpu.vector_load_idx %arg14[%add3A_138, %add3A_311] : memref<256x128xf32, #tpu.memory_space<vmem>>[vector<16xi32>, vector<16xi32>], vector<16xf32>,
      %mul3A_313 = arith.mulf %gather3A_310, %gather3A_312 : vector<16xf32>
      %mul3A_314 = arith.mulf %mul3A_313, %get3A_45 : vector<16xf32>
      %add3A_315 = arith.addf %add3A_306, %mul3A_314 : vector<16xf32>
      %broadcast_in_dim3A_316 = arith.constant 19 : i32
      %broadcast_in_dim3A_317 = vector.broadcast %broadcast_in_dim3A_316 : i32 to vector<16xi32>
      %add3A_318 = arith.addi %mul3A_141, %broadcast_in_dim3A_317 : vector<16xi32>
      %gather3A_319 = tpu.vector_load_idx %arg13[%add3A_138, %add3A_318] : memref<256x128xf32, #tpu.memory_space<vmem>>[vector<16xi32>, vector<16xi32>], vector<16xf32>,
      %add3A_320 = arith.addi %mul3A_145, %broadcast_in_dim3A_317 : vector<16xi32>
      %gather3A_321 = tpu.vector_load_idx %arg14[%add3A_138, %add3A_320] : memref<256x128xf32, #tpu.memory_space<vmem>>[vector<16xi32>, vector<16xi32>], vector<16xf32>,
      %mul3A_322 = arith.mulf %gather3A_319, %gather3A_321 : vector<16xf32>
      %mul3A_323 = arith.mulf %mul3A_322, %get3A_47 : vector<16xf32>
      %add3A_324 = arith.addf %add3A_315, %mul3A_323 : vector<16xf32>
      %broadcast_in_dim3A_325 = arith.constant 20 : i32
      %broadcast_in_dim3A_326 = vector.broadcast %broadcast_in_dim3A_325 : i32 to vector<16xi32>
      %add3A_327 = arith.addi %mul3A_141, %broadcast_in_dim3A_326 : vector<16xi32>
      %gather3A_328 = tpu.vector_load_idx %arg13[%add3A_138, %add3A_327] : memref<256x128xf32, #tpu.memory_space<vmem>>[vector<16xi32>, vector<16xi32>], vector<16xf32>,
      %add3A_329 = arith.addi %mul3A_145, %broadcast_in_dim3A_326 : vector<16xi32>
      %gather3A_330 = tpu.vector_load_idx %arg14[%add3A_138, %add3A_329] : memref<256x128xf32, #tpu.memory_space<vmem>>[vector<16xi32>, vector<16xi32>], vector<16xf32>,
      %mul3A_331 = arith.mulf %gather3A_328, %gather3A_330 : vector<16xf32>
      %mul3A_332 = arith.mulf %mul3A_331, %get3A_49 : vector<16xf32>
      %add3A_333 = arith.addf %add3A_324, %mul3A_332 : vector<16xf32>
      %broadcast_in_dim3A_334 = arith.constant 21 : i32
      %broadcast_in_dim3A_335 = vector.broadcast %broadcast_in_dim3A_334 : i32 to vector<16xi32>
      %add3A_336 = arith.addi %mul3A_141, %broadcast_in_dim3A_335 : vector<16xi32>
      %gather3A_337 = tpu.vector_load_idx %arg13[%add3A_138, %add3A_336] : memref<256x128xf32, #tpu.memory_space<vmem>>[vector<16xi32>, vector<16xi32>], vector<16xf32>,
      %add3A_338 = arith.addi %mul3A_145, %broadcast_in_dim3A_335 : vector<16xi32>
      %gather3A_339 = tpu.vector_load_idx %arg14[%add3A_138, %add3A_338] : memref<256x128xf32, #tpu.memory_space<vmem>>[vector<16xi32>, vector<16xi32>], vector<16xf32>,
      %mul3A_340 = arith.mulf %gather3A_337, %gather3A_339 : vector<16xf32>
      %mul3A_341 = arith.mulf %mul3A_340, %get3A_51 : vector<16xf32>
      %add3A_342 = arith.addf %add3A_333, %mul3A_341 : vector<16xf32>
      %broadcast_in_dim3A_343 = arith.constant 22 : i32
      %broadcast_in_dim3A_344 = vector.broadcast %broadcast_in_dim3A_343 : i32 to vector<16xi32>
      %add3A_345 = arith.addi %mul3A_141, %broadcast_in_dim3A_344 : vector<16xi32>
      %gather3A_346 = tpu.vector_load_idx %arg13[%add3A_138, %add3A_345] : memref<256x128xf32, #tpu.memory_space<vmem>>[vector<16xi32>, vector<16xi32>], vector<16xf32>,
      %add3A_347 = arith.addi %mul3A_145, %broadcast_in_dim3A_344 : vector<16xi32>
      %gather3A_348 = tpu.vector_load_idx %arg14[%add3A_138, %add3A_347] : memref<256x128xf32, #tpu.memory_space<vmem>>[vector<16xi32>, vector<16xi32>], vector<16xf32>,
      %mul3A_349 = arith.mulf %gather3A_346, %gather3A_348 : vector<16xf32>
      %mul3A_350 = arith.mulf %mul3A_349, %get3A_53 : vector<16xf32>
      %add3A_351 = arith.addf %add3A_342, %mul3A_350 : vector<16xf32>
      %broadcast_in_dim3A_352 = arith.constant 23 : i32
      %broadcast_in_dim3A_353 = vector.broadcast %broadcast_in_dim3A_352 : i32 to vector<16xi32>
      %add3A_354 = arith.addi %mul3A_141, %broadcast_in_dim3A_353 : vector<16xi32>
      %gather3A_355 = tpu.vector_load_idx %arg13[%add3A_138, %add3A_354] : memref<256x128xf32, #tpu.memory_space<vmem>>[vector<16xi32>, vector<16xi32>], vector<16xf32>,
      %add3A_356 = arith.addi %mul3A_145, %broadcast_in_dim3A_353 : vector<16xi32>
      %gather3A_357 = tpu.vector_load_idx %arg14[%add3A_138, %add3A_356] : memref<256x128xf32, #tpu.memory_space<vmem>>[vector<16xi32>, vector<16xi32>], vector<16xf32>,
      %mul3A_358 = arith.mulf %gather3A_355, %gather3A_357 : vector<16xf32>
      %mul3A_359 = arith.mulf %mul3A_358, %get3A_55 : vector<16xf32>
      %add3A_360 = arith.addf %add3A_351, %mul3A_359 : vector<16xf32>
      %broadcast_in_dim3A_361 = arith.constant 24 : i32
      %broadcast_in_dim3A_362 = vector.broadcast %broadcast_in_dim3A_361 : i32 to vector<16xi32>
      %add3A_363 = arith.addi %mul3A_141, %broadcast_in_dim3A_362 : vector<16xi32>
      %gather3A_364 = tpu.vector_load_idx %arg13[%add3A_138, %add3A_363] : memref<256x128xf32, #tpu.memory_space<vmem>>[vector<16xi32>, vector<16xi32>], vector<16xf32>,
      %add3A_365 = arith.addi %mul3A_145, %broadcast_in_dim3A_362 : vector<16xi32>
      %gather3A_366 = tpu.vector_load_idx %arg14[%add3A_138, %add3A_365] : memref<256x128xf32, #tpu.memory_space<vmem>>[vector<16xi32>, vector<16xi32>], vector<16xf32>,
      %mul3A_367 = arith.mulf %gather3A_364, %gather3A_366 : vector<16xf32>
      %mul3A_368 = arith.mulf %mul3A_367, %get3A_57 : vector<16xf32>
      %add3A_369 = arith.addf %add3A_360, %mul3A_368 : vector<16xf32>
      %broadcast_in_dim3A_370 = arith.constant 25 : i32
      %broadcast_in_dim3A_371 = vector.broadcast %broadcast_in_dim3A_370 : i32 to vector<16xi32>
      %add3A_372 = arith.addi %mul3A_141, %broadcast_in_dim3A_371 : vector<16xi32>
      %gather3A_373 = tpu.vector_load_idx %arg13[%add3A_138, %add3A_372] : memref<256x128xf32, #tpu.memory_space<vmem>>[vector<16xi32>, vector<16xi32>], vector<16xf32>,
      %add3A_374 = arith.addi %mul3A_145, %broadcast_in_dim3A_371 : vector<16xi32>
      %gather3A_375 = tpu.vector_load_idx %arg14[%add3A_138, %add3A_374] : memref<256x128xf32, #tpu.memory_space<vmem>>[vector<16xi32>, vector<16xi32>], vector<16xf32>,
      %mul3A_376 = arith.mulf %gather3A_373, %gather3A_375 : vector<16xf32>
      %mul3A_377 = arith.mulf %mul3A_376, %get3A_59 : vector<16xf32>
      %add3A_378 = arith.addf %add3A_369, %mul3A_377 : vector<16xf32>
      %broadcast_in_dim3A_379 = arith.constant 26 : i32
      %broadcast_in_dim3A_380 = vector.broadcast %broadcast_in_dim3A_379 : i32 to vector<16xi32>
      %add3A_381 = arith.addi %mul3A_141, %broadcast_in_dim3A_380 : vector<16xi32>
      %gather3A_382 = tpu.vector_load_idx %arg13[%add3A_138, %add3A_381] : memref<256x128xf32, #tpu.memory_space<vmem>>[vector<16xi32>, vector<16xi32>], vector<16xf32>,
      %add3A_383 = arith.addi %mul3A_145, %broadcast_in_dim3A_380 : vector<16xi32>
      %gather3A_384 = tpu.vector_load_idx %arg14[%add3A_138, %add3A_383] : memref<256x128xf32, #tpu.memory_space<vmem>>[vector<16xi32>, vector<16xi32>], vector<16xf32>,
      %mul3A_385 = arith.mulf %gather3A_382, %gather3A_384 : vector<16xf32>
      %mul3A_386 = arith.mulf %mul3A_385, %get3A_61 : vector<16xf32>
      %add3A_387 = arith.addf %add3A_378, %mul3A_386 : vector<16xf32>
      %broadcast_in_dim3A_388 = arith.constant 27 : i32
      %broadcast_in_dim3A_389 = vector.broadcast %broadcast_in_dim3A_388 : i32 to vector<16xi32>
      %add3A_390 = arith.addi %mul3A_141, %broadcast_in_dim3A_389 : vector<16xi32>
      %gather3A_391 = tpu.vector_load_idx %arg13[%add3A_138, %add3A_390] : memref<256x128xf32, #tpu.memory_space<vmem>>[vector<16xi32>, vector<16xi32>], vector<16xf32>,
      %add3A_392 = arith.addi %mul3A_145, %broadcast_in_dim3A_389 : vector<16xi32>
      %gather3A_393 = tpu.vector_load_idx %arg14[%add3A_138, %add3A_392] : memref<256x128xf32, #tpu.memory_space<vmem>>[vector<16xi32>, vector<16xi32>], vector<16xf32>,
      %mul3A_394 = arith.mulf %gather3A_391, %gather3A_393 : vector<16xf32>
      %mul3A_395 = arith.mulf %mul3A_394, %get3A_63 : vector<16xf32>
      %add3A_396 = arith.addf %add3A_387, %mul3A_395 : vector<16xf32>
      %broadcast_in_dim3A_397 = arith.constant 28 : i32
      %broadcast_in_dim3A_398 = vector.broadcast %broadcast_in_dim3A_397 : i32 to vector<16xi32>
      %add3A_399 = arith.addi %mul3A_141, %broadcast_in_dim3A_398 : vector<16xi32>
      %gather3A_400 = tpu.vector_load_idx %arg13[%add3A_138, %add3A_399] : memref<256x128xf32, #tpu.memory_space<vmem>>[vector<16xi32>, vector<16xi32>], vector<16xf32>,
      %add3A_401 = arith.addi %mul3A_145, %broadcast_in_dim3A_398 : vector<16xi32>
      %gather3A_402 = tpu.vector_load_idx %arg14[%add3A_138, %add3A_401] : memref<256x128xf32, #tpu.memory_space<vmem>>[vector<16xi32>, vector<16xi32>], vector<16xf32>,
      %mul3A_403 = arith.mulf %gather3A_400, %gather3A_402 : vector<16xf32>
      %mul3A_404 = arith.mulf %mul3A_403, %get3A_65 : vector<16xf32>
      %add3A_405 = arith.addf %add3A_396, %mul3A_404 : vector<16xf32>
      %broadcast_in_dim3A_406 = arith.constant 29 : i32
      %broadcast_in_dim3A_407 = vector.broadcast %broadcast_in_dim3A_406 : i32 to vector<16xi32>
      %add3A_408 = arith.addi %mul3A_141, %broadcast_in_dim3A_407 : vector<16xi32>
      %gather3A_409 = tpu.vector_load_idx %arg13[%add3A_138, %add3A_408] : memref<256x128xf32, #tpu.memory_space<vmem>>[vector<16xi32>, vector<16xi32>], vector<16xf32>,
      %add3A_410 = arith.addi %mul3A_145, %broadcast_in_dim3A_407 : vector<16xi32>
      %gather3A_411 = tpu.vector_load_idx %arg14[%add3A_138, %add3A_410] : memref<256x128xf32, #tpu.memory_space<vmem>>[vector<16xi32>, vector<16xi32>], vector<16xf32>,
      %mul3A_412 = arith.mulf %gather3A_409, %gather3A_411 : vector<16xf32>
      %mul3A_413 = arith.mulf %mul3A_412, %get3A_67 : vector<16xf32>
      %add3A_414 = arith.addf %add3A_405, %mul3A_413 : vector<16xf32>
      %broadcast_in_dim3A_415 = arith.constant 30 : i32
      %broadcast_in_dim3A_416 = vector.broadcast %broadcast_in_dim3A_415 : i32 to vector<16xi32>
      %add3A_417 = arith.addi %mul3A_141, %broadcast_in_dim3A_416 : vector<16xi32>
      %gather3A_418 = tpu.vector_load_idx %arg13[%add3A_138, %add3A_417] : memref<256x128xf32, #tpu.memory_space<vmem>>[vector<16xi32>, vector<16xi32>], vector<16xf32>,
      %add3A_419 = arith.addi %mul3A_145, %broadcast_in_dim3A_416 : vector<16xi32>
      %gather3A_420 = tpu.vector_load_idx %arg14[%add3A_138, %add3A_419] : memref<256x128xf32, #tpu.memory_space<vmem>>[vector<16xi32>, vector<16xi32>], vector<16xf32>,
      %mul3A_421 = arith.mulf %gather3A_418, %gather3A_420 : vector<16xf32>
      %mul3A_422 = arith.mulf %mul3A_421, %get3A_69 : vector<16xf32>
      %add3A_423 = arith.addf %add3A_414, %mul3A_422 : vector<16xf32>
      %broadcast_in_dim3A_424 = arith.constant 31 : i32
      %broadcast_in_dim3A_425 = vector.broadcast %broadcast_in_dim3A_424 : i32 to vector<16xi32>
      %add3A_426 = arith.addi %mul3A_141, %broadcast_in_dim3A_425 : vector<16xi32>
      %gather3A_427 = tpu.vector_load_idx %arg13[%add3A_138, %add3A_426] : memref<256x128xf32, #tpu.memory_space<vmem>>[vector<16xi32>, vector<16xi32>], vector<16xf32>,
      %add3A_428 = arith.addi %mul3A_145, %broadcast_in_dim3A_425 : vector<16xi32>
      %gather3A_429 = tpu.vector_load_idx %arg14[%add3A_138, %add3A_428] : memref<256x128xf32, #tpu.memory_space<vmem>>[vector<16xi32>, vector<16xi32>], vector<16xf32>,
      %mul3A_430 = arith.mulf %gather3A_427, %gather3A_429 : vector<16xf32>
      %mul3A_431 = arith.mulf %mul3A_430, %get3A_71 : vector<16xf32>
      %add3A_432 = arith.addf %add3A_423, %mul3A_431 : vector<16xf32>
      %swap3A = arith.index_cast %add3A_134 : i32 to index
      %swap3A_433 = tpu.vector_load %arg15[%swap3A] {strides = array<i32>} : memref<512xf32, #tpu.memory_space<vmem>>, vector<16xf32>,
      tpu.vector_store %arg15[%swap3A], %add3A_432 {strides = array<i32>} : memref<512xf32, #tpu.memory_space<vmem>>, vector<16xf32>,
      %scan3A_434 = arith.constant 0 : i32
      scf.yield %scan3A_434 : i32
    }
    %scan3A_101 = arith.constant 16 : i32
    %dma_start3A_102 = arith.constant 256 : i32
    %dma_start3A_103 = tpu.memref_slice %arg11[%dma_start3A_102] : memref<512xi32, #tpu.memory_space<vmem>> -> memref<256xi32, #tpu.memory_space<vmem>>
    %dma_start3A_104 = arith.constant 0 : i32
    %dma_start3A_105 = arith.constant 0 : i32
    %dma_start3A_106 = tpu.memref_slice %arg4[%dma_start3A_104, %dma_start3A_105] : memref<250880x128xf32, #tpu.memory_space<hbm>> -> memref<250880x128xf32, #tpu.memory_space<hbm>>
    tpu.enqueue_indirect_dma source(%dma_start3A_106 : memref<250880x128xf32, #tpu.memory_space<hbm>>) target(%arg13 : memref<256x128xf32, #tpu.memory_space<vmem>>) offsets(%dma_start3A_103 : memref<256xi32, #tpu.memory_space<vmem>>) semaphore(%arg18 : memref<!tpu.dma_semaphore, #tpu.memory_space<semaphore_mem>>)
    %dma_start3A_107 = arith.constant 256 : i32
    %dma_start3A_108 = tpu.memref_slice %arg12[%dma_start3A_107] : memref<512xi32, #tpu.memory_space<vmem>> -> memref<256xi32, #tpu.memory_space<vmem>>
    %dma_start3A_109 = arith.constant 0 : i32
    %dma_start3A_110 = arith.constant 0 : i32
    %dma_start3A_111 = tpu.memref_slice %arg5[%dma_start3A_109, %dma_start3A_110] : memref<250880x128xf32, #tpu.memory_space<hbm>> -> memref<250880x128xf32, #tpu.memory_space<hbm>>
    tpu.enqueue_indirect_dma source(%dma_start3A_111 : memref<250880x128xf32, #tpu.memory_space<hbm>>) target(%arg14 : memref<256x128xf32, #tpu.memory_space<vmem>>) offsets(%dma_start3A_108 : memref<256xi32, #tpu.memory_space<vmem>>) semaphore(%arg19 : memref<!tpu.dma_semaphore, #tpu.memory_space<semaphore_mem>>)
    %dma_wait3A_112 = arith.constant 256 : i32
    %dma_wait3A_113 = tpu.memref_slice %arg11[%dma_wait3A_112] : memref<512xi32, #tpu.memory_space<vmem>> -> memref<256xi32, #tpu.memory_space<vmem>>
    %dma_wait3A_114 = arith.constant 0 : i32
    %dma_wait3A_115 = arith.constant 0 : i32
    %dma_wait3A_116 = tpu.memref_slice %arg4[%dma_wait3A_114, %dma_wait3A_115] : memref<250880x128xf32, #tpu.memory_space<hbm>> -> memref<250880x128xf32, #tpu.memory_space<hbm>>
    tpu.wait_indirect_dma semaphore(%arg18 : memref<!tpu.dma_semaphore, #tpu.memory_space<semaphore_mem>>) src(%dma_wait3A_116 : memref<250880x128xf32, #tpu.memory_space<hbm>>) dst(%arg13 : memref<256x128xf32, #tpu.memory_space<vmem>>)
    %dma_wait3A_117 = arith.constant 256 : i32
    %dma_wait3A_118 = tpu.memref_slice %arg12[%dma_wait3A_117] : memref<512xi32, #tpu.memory_space<vmem>> -> memref<256xi32, #tpu.memory_space<vmem>>
    %dma_wait3A_119 = arith.constant 0 : i32
    %dma_wait3A_120 = arith.constant 0 : i32
    %dma_wait3A_121 = tpu.memref_slice %arg5[%dma_wait3A_119, %dma_wait3A_120] : memref<250880x128xf32, #tpu.memory_space<hbm>> -> memref<250880x128xf32, #tpu.memory_space<hbm>>
    tpu.wait_indirect_dma semaphore(%arg19 : memref<!tpu.dma_semaphore, #tpu.memory_space<semaphore_mem>>) src(%dma_wait3A_121 : memref<250880x128xf32, #tpu.memory_space<hbm>>) dst(%arg14 : memref<256x128xf32, #tpu.memory_space<vmem>>)
    %scan3A_122 = arith.constant 0 : i32
    %scan3A_123 = arith.constant 0 : i32
    %scan3A_124 = arith.constant 16 : i32
    %scan3A_125 = arith.addi %scan3A_123, %scan3A_124 : i32
    %scan3A_126 = arith.constant 1 : i32
    %scan3A_127 = scf.for %scan3A_129 = %scan3A_123 to %scan3A_125 step %scan3A_126 iter_args(%scan3A_130 = %scan3A_122) -> (i32)  : i32 {
      %mul3A_131 = arith.constant 16 : i32
      %mul3A_132 = arith.muli %scan3A_129, %mul3A_131 : i32
      %add3A_133 = arith.constant 256 : i32
      %add3A_134 = arith.addi %add3A_133, %mul3A_132 : i32
      %mul3A_135 = arith.constant 16 : i32
      %mul3A_136 = arith.muli %scan3A_129, %mul3A_135 : i32
      %add3A_137 = vector.broadcast %mul3A_136 : i32 to vector<16xi32>
      %add3A_138 = arith.addi %add3A_137, %iota3A : vector<16xi32>
      %get3A_139 = arith.index_cast %add3A_134 : i32 to index
      %get3A_140 = tpu.vector_load %arg9[%get3A_139] {strides = array<i32>} : memref<512xi32, #tpu.memory_space<vmem>>, vector<16xi32>,
      %and3A = arith.andi %get3A_140, %broadcast_in_dim3A_74 : vector<16xi32>
      %mul3A_141 = arith.muli %and3A, %broadcast_in_dim3A_76 : vector<16xi32>
      %get3A_142 = arith.index_cast %add3A_134 : i32 to index
      %get3A_143 = tpu.vector_load %arg10[%get3A_142] {strides = array<i32>} : memref<512xi32, #tpu.memory_space<vmem>>, vector<16xi32>,
      %and3A_144 = arith.andi %get3A_143, %broadcast_in_dim3A_74 : vector<16xi32>
      %mul3A_145 = arith.muli %and3A_144, %broadcast_in_dim3A_76 : vector<16xi32>
      %broadcast_in_dim3A_146 = arith.constant 0 : i32
      %broadcast_in_dim3A_147 = vector.broadcast %broadcast_in_dim3A_146 : i32 to vector<16xi32>
      %add3A_148 = arith.addi %mul3A_141, %broadcast_in_dim3A_147 : vector<16xi32>
      %gather3A = tpu.vector_load_idx %arg13[%add3A_138, %add3A_148] : memref<256x128xf32, #tpu.memory_space<vmem>>[vector<16xi32>, vector<16xi32>], vector<16xf32>,
      %add3A_149 = arith.addi %mul3A_145, %broadcast_in_dim3A_147 : vector<16xi32>
      %gather3A_150 = tpu.vector_load_idx %arg14[%add3A_138, %add3A_149] : memref<256x128xf32, #tpu.memory_space<vmem>>[vector<16xi32>, vector<16xi32>], vector<16xf32>,
      %mul3A_151 = arith.mulf %gather3A, %gather3A_150 : vector<16xf32>
      %mul3A_152 = arith.mulf %mul3A_151, %get3A_9 : vector<16xf32>
      %add3A_153 = arith.addf %get3A_73, %mul3A_152 : vector<16xf32>
      %broadcast_in_dim3A_154 = arith.constant 1 : i32
      %broadcast_in_dim3A_155 = vector.broadcast %broadcast_in_dim3A_154 : i32 to vector<16xi32>
      %add3A_156 = arith.addi %mul3A_141, %broadcast_in_dim3A_155 : vector<16xi32>
      %gather3A_157 = tpu.vector_load_idx %arg13[%add3A_138, %add3A_156] : memref<256x128xf32, #tpu.memory_space<vmem>>[vector<16xi32>, vector<16xi32>], vector<16xf32>,
      %add3A_158 = arith.addi %mul3A_145, %broadcast_in_dim3A_155 : vector<16xi32>
      %gather3A_159 = tpu.vector_load_idx %arg14[%add3A_138, %add3A_158] : memref<256x128xf32, #tpu.memory_space<vmem>>[vector<16xi32>, vector<16xi32>], vector<16xf32>,
      %mul3A_160 = arith.mulf %gather3A_157, %gather3A_159 : vector<16xf32>
      %mul3A_161 = arith.mulf %mul3A_160, %get3A_11 : vector<16xf32>
      %add3A_162 = arith.addf %add3A_153, %mul3A_161 : vector<16xf32>
      %broadcast_in_dim3A_163 = arith.constant 2 : i32
      %broadcast_in_dim3A_164 = vector.broadcast %broadcast_in_dim3A_163 : i32 to vector<16xi32>
      %add3A_165 = arith.addi %mul3A_141, %broadcast_in_dim3A_164 : vector<16xi32>
      %gather3A_166 = tpu.vector_load_idx %arg13[%add3A_138, %add3A_165] : memref<256x128xf32, #tpu.memory_space<vmem>>[vector<16xi32>, vector<16xi32>], vector<16xf32>,
      %add3A_167 = arith.addi %mul3A_145, %broadcast_in_dim3A_164 : vector<16xi32>
      %gather3A_168 = tpu.vector_load_idx %arg14[%add3A_138, %add3A_167] : memref<256x128xf32, #tpu.memory_space<vmem>>[vector<16xi32>, vector<16xi32>], vector<16xf32>,
      %mul3A_169 = arith.mulf %gather3A_166, %gather3A_168 : vector<16xf32>
      %mul3A_170 = arith.mulf %mul3A_169, %get3A_13 : vector<16xf32>
      %add3A_171 = arith.addf %add3A_162, %mul3A_170 : vector<16xf32>
      %broadcast_in_dim3A_172 = arith.constant 3 : i32
      %broadcast_in_dim3A_173 = vector.broadcast %broadcast_in_dim3A_172 : i32 to vector<16xi32>
      %add3A_174 = arith.addi %mul3A_141, %broadcast_in_dim3A_173 : vector<16xi32>
      %gather3A_175 = tpu.vector_load_idx %arg13[%add3A_138, %add3A_174] : memref<256x128xf32, #tpu.memory_space<vmem>>[vector<16xi32>, vector<16xi32>], vector<16xf32>,
      %add3A_176 = arith.addi %mul3A_145, %broadcast_in_dim3A_173 : vector<16xi32>
      %gather3A_177 = tpu.vector_load_idx %arg14[%add3A_138, %add3A_176] : memref<256x128xf32, #tpu.memory_space<vmem>>[vector<16xi32>, vector<16xi32>], vector<16xf32>,
      %mul3A_178 = arith.mulf %gather3A_175, %gather3A_177 : vector<16xf32>
      %mul3A_179 = arith.mulf %mul3A_178, %get3A_15 : vector<16xf32>
      %add3A_180 = arith.addf %add3A_171, %mul3A_179 : vector<16xf32>
      %broadcast_in_dim3A_181 = arith.constant 4 : i32
      %broadcast_in_dim3A_182 = vector.broadcast %broadcast_in_dim3A_181 : i32 to vector<16xi32>
      %add3A_183 = arith.addi %mul3A_141, %broadcast_in_dim3A_182 : vector<16xi32>
      %gather3A_184 = tpu.vector_load_idx %arg13[%add3A_138, %add3A_183] : memref<256x128xf32, #tpu.memory_space<vmem>>[vector<16xi32>, vector<16xi32>], vector<16xf32>,
      %add3A_185 = arith.addi %mul3A_145, %broadcast_in_dim3A_182 : vector<16xi32>
      %gather3A_186 = tpu.vector_load_idx %arg14[%add3A_138, %add3A_185] : memref<256x128xf32, #tpu.memory_space<vmem>>[vector<16xi32>, vector<16xi32>], vector<16xf32>,
      %mul3A_187 = arith.mulf %gather3A_184, %gather3A_186 : vector<16xf32>
      %mul3A_188 = arith.mulf %mul3A_187, %get3A_17 : vector<16xf32>
      %add3A_189 = arith.addf %add3A_180, %mul3A_188 : vector<16xf32>
      %broadcast_in_dim3A_190 = arith.constant 5 : i32
      %broadcast_in_dim3A_191 = vector.broadcast %broadcast_in_dim3A_190 : i32 to vector<16xi32>
      %add3A_192 = arith.addi %mul3A_141, %broadcast_in_dim3A_191 : vector<16xi32>
      %gather3A_193 = tpu.vector_load_idx %arg13[%add3A_138, %add3A_192] : memref<256x128xf32, #tpu.memory_space<vmem>>[vector<16xi32>, vector<16xi32>], vector<16xf32>,
      %add3A_194 = arith.addi %mul3A_145, %broadcast_in_dim3A_191 : vector<16xi32>
      %gather3A_195 = tpu.vector_load_idx %arg14[%add3A_138, %add3A_194] : memref<256x128xf32, #tpu.memory_space<vmem>>[vector<16xi32>, vector<16xi32>], vector<16xf32>,
      %mul3A_196 = arith.mulf %gather3A_193, %gather3A_195 : vector<16xf32>
      %mul3A_197 = arith.mulf %mul3A_196, %get3A_19 : vector<16xf32>
      %add3A_198 = arith.addf %add3A_189, %mul3A_197 : vector<16xf32>
      %broadcast_in_dim3A_199 = arith.constant 6 : i32
      %broadcast_in_dim3A_200 = vector.broadcast %broadcast_in_dim3A_199 : i32 to vector<16xi32>
      %add3A_201 = arith.addi %mul3A_141, %broadcast_in_dim3A_200 : vector<16xi32>
      %gather3A_202 = tpu.vector_load_idx %arg13[%add3A_138, %add3A_201] : memref<256x128xf32, #tpu.memory_space<vmem>>[vector<16xi32>, vector<16xi32>], vector<16xf32>,
      %add3A_203 = arith.addi %mul3A_145, %broadcast_in_dim3A_200 : vector<16xi32>
      %gather3A_204 = tpu.vector_load_idx %arg14[%add3A_138, %add3A_203] : memref<256x128xf32, #tpu.memory_space<vmem>>[vector<16xi32>, vector<16xi32>], vector<16xf32>,
      %mul3A_205 = arith.mulf %gather3A_202, %gather3A_204 : vector<16xf32>
      %mul3A_206 = arith.mulf %mul3A_205, %get3A_21 : vector<16xf32>
      %add3A_207 = arith.addf %add3A_198, %mul3A_206 : vector<16xf32>
      %broadcast_in_dim3A_208 = arith.constant 7 : i32
      %broadcast_in_dim3A_209 = vector.broadcast %broadcast_in_dim3A_208 : i32 to vector<16xi32>
      %add3A_210 = arith.addi %mul3A_141, %broadcast_in_dim3A_209 : vector<16xi32>
      %gather3A_211 = tpu.vector_load_idx %arg13[%add3A_138, %add3A_210] : memref<256x128xf32, #tpu.memory_space<vmem>>[vector<16xi32>, vector<16xi32>], vector<16xf32>,
      %add3A_212 = arith.addi %mul3A_145, %broadcast_in_dim3A_209 : vector<16xi32>
      %gather3A_213 = tpu.vector_load_idx %arg14[%add3A_138, %add3A_212] : memref<256x128xf32, #tpu.memory_space<vmem>>[vector<16xi32>, vector<16xi32>], vector<16xf32>,
      %mul3A_214 = arith.mulf %gather3A_211, %gather3A_213 : vector<16xf32>
      %mul3A_215 = arith.mulf %mul3A_214, %get3A_23 : vector<16xf32>
      %add3A_216 = arith.addf %add3A_207, %mul3A_215 : vector<16xf32>
      %broadcast_in_dim3A_217 = arith.constant 8 : i32
      %broadcast_in_dim3A_218 = vector.broadcast %broadcast_in_dim3A_217 : i32 to vector<16xi32>
      %add3A_219 = arith.addi %mul3A_141, %broadcast_in_dim3A_218 : vector<16xi32>
      %gather3A_220 = tpu.vector_load_idx %arg13[%add3A_138, %add3A_219] : memref<256x128xf32, #tpu.memory_space<vmem>>[vector<16xi32>, vector<16xi32>], vector<16xf32>,
      %add3A_221 = arith.addi %mul3A_145, %broadcast_in_dim3A_218 : vector<16xi32>
      %gather3A_222 = tpu.vector_load_idx %arg14[%add3A_138, %add3A_221] : memref<256x128xf32, #tpu.memory_space<vmem>>[vector<16xi32>, vector<16xi32>], vector<16xf32>,
      %mul3A_223 = arith.mulf %gather3A_220, %gather3A_222 : vector<16xf32>
      %mul3A_224 = arith.mulf %mul3A_223, %get3A_25 : vector<16xf32>
      %add3A_225 = arith.addf %add3A_216, %mul3A_224 : vector<16xf32>
      %broadcast_in_dim3A_226 = arith.constant 9 : i32
      %broadcast_in_dim3A_227 = vector.broadcast %broadcast_in_dim3A_226 : i32 to vector<16xi32>
      %add3A_228 = arith.addi %mul3A_141, %broadcast_in_dim3A_227 : vector<16xi32>
      %gather3A_229 = tpu.vector_load_idx %arg13[%add3A_138, %add3A_228] : memref<256x128xf32, #tpu.memory_space<vmem>>[vector<16xi32>, vector<16xi32>], vector<16xf32>,
      %add3A_230 = arith.addi %mul3A_145, %broadcast_in_dim3A_227 : vector<16xi32>
      %gather3A_231 = tpu.vector_load_idx %arg14[%add3A_138, %add3A_230] : memref<256x128xf32, #tpu.memory_space<vmem>>[vector<16xi32>, vector<16xi32>], vector<16xf32>,
      %mul3A_232 = arith.mulf %gather3A_229, %gather3A_231 : vector<16xf32>
      %mul3A_233 = arith.mulf %mul3A_232, %get3A_27 : vector<16xf32>
      %add3A_234 = arith.addf %add3A_225, %mul3A_233 : vector<16xf32>
      %broadcast_in_dim3A_235 = arith.constant 10 : i32
      %broadcast_in_dim3A_236 = vector.broadcast %broadcast_in_dim3A_235 : i32 to vector<16xi32>
      %add3A_237 = arith.addi %mul3A_141, %broadcast_in_dim3A_236 : vector<16xi32>
      %gather3A_238 = tpu.vector_load_idx %arg13[%add3A_138, %add3A_237] : memref<256x128xf32, #tpu.memory_space<vmem>>[vector<16xi32>, vector<16xi32>], vector<16xf32>,
      %add3A_239 = arith.addi %mul3A_145, %broadcast_in_dim3A_236 : vector<16xi32>
      %gather3A_240 = tpu.vector_load_idx %arg14[%add3A_138, %add3A_239] : memref<256x128xf32, #tpu.memory_space<vmem>>[vector<16xi32>, vector<16xi32>], vector<16xf32>,
      %mul3A_241 = arith.mulf %gather3A_238, %gather3A_240 : vector<16xf32>
      %mul3A_242 = arith.mulf %mul3A_241, %get3A_29 : vector<16xf32>
      %add3A_243 = arith.addf %add3A_234, %mul3A_242 : vector<16xf32>
      %broadcast_in_dim3A_244 = arith.constant 11 : i32
      %broadcast_in_dim3A_245 = vector.broadcast %broadcast_in_dim3A_244 : i32 to vector<16xi32>
      %add3A_246 = arith.addi %mul3A_141, %broadcast_in_dim3A_245 : vector<16xi32>
      %gather3A_247 = tpu.vector_load_idx %arg13[%add3A_138, %add3A_246] : memref<256x128xf32, #tpu.memory_space<vmem>>[vector<16xi32>, vector<16xi32>], vector<16xf32>,
      %add3A_248 = arith.addi %mul3A_145, %broadcast_in_dim3A_245 : vector<16xi32>
      %gather3A_249 = tpu.vector_load_idx %arg14[%add3A_138, %add3A_248] : memref<256x128xf32, #tpu.memory_space<vmem>>[vector<16xi32>, vector<16xi32>], vector<16xf32>,
      %mul3A_250 = arith.mulf %gather3A_247, %gather3A_249 : vector<16xf32>
      %mul3A_251 = arith.mulf %mul3A_250, %get3A_31 : vector<16xf32>
      %add3A_252 = arith.addf %add3A_243, %mul3A_251 : vector<16xf32>
      %broadcast_in_dim3A_253 = arith.constant 12 : i32
      %broadcast_in_dim3A_254 = vector.broadcast %broadcast_in_dim3A_253 : i32 to vector<16xi32>
      %add3A_255 = arith.addi %mul3A_141, %broadcast_in_dim3A_254 : vector<16xi32>
      %gather3A_256 = tpu.vector_load_idx %arg13[%add3A_138, %add3A_255] : memref<256x128xf32, #tpu.memory_space<vmem>>[vector<16xi32>, vector<16xi32>], vector<16xf32>,
      %add3A_257 = arith.addi %mul3A_145, %broadcast_in_dim3A_254 : vector<16xi32>
      %gather3A_258 = tpu.vector_load_idx %arg14[%add3A_138, %add3A_257] : memref<256x128xf32, #tpu.memory_space<vmem>>[vector<16xi32>, vector<16xi32>], vector<16xf32>,
      %mul3A_259 = arith.mulf %gather3A_256, %gather3A_258 : vector<16xf32>
      %mul3A_260 = arith.mulf %mul3A_259, %get3A_33 : vector<16xf32>
      %add3A_261 = arith.addf %add3A_252, %mul3A_260 : vector<16xf32>
      %broadcast_in_dim3A_262 = arith.constant 13 : i32
      %broadcast_in_dim3A_263 = vector.broadcast %broadcast_in_dim3A_262 : i32 to vector<16xi32>
      %add3A_264 = arith.addi %mul3A_141, %broadcast_in_dim3A_263 : vector<16xi32>
      %gather3A_265 = tpu.vector_load_idx %arg13[%add3A_138, %add3A_264] : memref<256x128xf32, #tpu.memory_space<vmem>>[vector<16xi32>, vector<16xi32>], vector<16xf32>,
      %add3A_266 = arith.addi %mul3A_145, %broadcast_in_dim3A_263 : vector<16xi32>
      %gather3A_267 = tpu.vector_load_idx %arg14[%add3A_138, %add3A_266] : memref<256x128xf32, #tpu.memory_space<vmem>>[vector<16xi32>, vector<16xi32>], vector<16xf32>,
      %mul3A_268 = arith.mulf %gather3A_265, %gather3A_267 : vector<16xf32>
      %mul3A_269 = arith.mulf %mul3A_268, %get3A_35 : vector<16xf32>
      %add3A_270 = arith.addf %add3A_261, %mul3A_269 : vector<16xf32>
      %broadcast_in_dim3A_271 = arith.constant 14 : i32
      %broadcast_in_dim3A_272 = vector.broadcast %broadcast_in_dim3A_271 : i32 to vector<16xi32>
      %add3A_273 = arith.addi %mul3A_141, %broadcast_in_dim3A_272 : vector<16xi32>
      %gather3A_274 = tpu.vector_load_idx %arg13[%add3A_138, %add3A_273] : memref<256x128xf32, #tpu.memory_space<vmem>>[vector<16xi32>, vector<16xi32>], vector<16xf32>,
      %add3A_275 = arith.addi %mul3A_145, %broadcast_in_dim3A_272 : vector<16xi32>
      %gather3A_276 = tpu.vector_load_idx %arg14[%add3A_138, %add3A_275] : memref<256x128xf32, #tpu.memory_space<vmem>>[vector<16xi32>, vector<16xi32>], vector<16xf32>,
      %mul3A_277 = arith.mulf %gather3A_274, %gather3A_276 : vector<16xf32>
      %mul3A_278 = arith.mulf %mul3A_277, %get3A_37 : vector<16xf32>
      %add3A_279 = arith.addf %add3A_270, %mul3A_278 : vector<16xf32>
      %broadcast_in_dim3A_280 = arith.constant 15 : i32
      %broadcast_in_dim3A_281 = vector.broadcast %broadcast_in_dim3A_280 : i32 to vector<16xi32>
      %add3A_282 = arith.addi %mul3A_141, %broadcast_in_dim3A_281 : vector<16xi32>
      %gather3A_283 = tpu.vector_load_idx %arg13[%add3A_138, %add3A_282] : memref<256x128xf32, #tpu.memory_space<vmem>>[vector<16xi32>, vector<16xi32>], vector<16xf32>,
      %add3A_284 = arith.addi %mul3A_145, %broadcast_in_dim3A_281 : vector<16xi32>
      %gather3A_285 = tpu.vector_load_idx %arg14[%add3A_138, %add3A_284] : memref<256x128xf32, #tpu.memory_space<vmem>>[vector<16xi32>, vector<16xi32>], vector<16xf32>,
      %mul3A_286 = arith.mulf %gather3A_283, %gather3A_285 : vector<16xf32>
      %mul3A_287 = arith.mulf %mul3A_286, %get3A_39 : vector<16xf32>
      %add3A_288 = arith.addf %add3A_279, %mul3A_287 : vector<16xf32>
      %broadcast_in_dim3A_289 = arith.constant 16 : i32
      %broadcast_in_dim3A_290 = vector.broadcast %broadcast_in_dim3A_289 : i32 to vector<16xi32>
      %add3A_291 = arith.addi %mul3A_141, %broadcast_in_dim3A_290 : vector<16xi32>
      %gather3A_292 = tpu.vector_load_idx %arg13[%add3A_138, %add3A_291] : memref<256x128xf32, #tpu.memory_space<vmem>>[vector<16xi32>, vector<16xi32>], vector<16xf32>,
      %add3A_293 = arith.addi %mul3A_145, %broadcast_in_dim3A_290 : vector<16xi32>
      %gather3A_294 = tpu.vector_load_idx %arg14[%add3A_138, %add3A_293] : memref<256x128xf32, #tpu.memory_space<vmem>>[vector<16xi32>, vector<16xi32>], vector<16xf32>,
      %mul3A_295 = arith.mulf %gather3A_292, %gather3A_294 : vector<16xf32>
      %mul3A_296 = arith.mulf %mul3A_295, %get3A_41 : vector<16xf32>
      %add3A_297 = arith.addf %add3A_288, %mul3A_296 : vector<16xf32>
      %broadcast_in_dim3A_298 = arith.constant 17 : i32
      %broadcast_in_dim3A_299 = vector.broadcast %broadcast_in_dim3A_298 : i32 to vector<16xi32>
      %add3A_300 = arith.addi %mul3A_141, %broadcast_in_dim3A_299 : vector<16xi32>
      %gather3A_301 = tpu.vector_load_idx %arg13[%add3A_138, %add3A_300] : memref<256x128xf32, #tpu.memory_space<vmem>>[vector<16xi32>, vector<16xi32>], vector<16xf32>,
      %add3A_302 = arith.addi %mul3A_145, %broadcast_in_dim3A_299 : vector<16xi32>
      %gather3A_303 = tpu.vector_load_idx %arg14[%add3A_138, %add3A_302] : memref<256x128xf32, #tpu.memory_space<vmem>>[vector<16xi32>, vector<16xi32>], vector<16xf32>,
      %mul3A_304 = arith.mulf %gather3A_301, %gather3A_303 : vector<16xf32>
      %mul3A_305 = arith.mulf %mul3A_304, %get3A_43 : vector<16xf32>
      %add3A_306 = arith.addf %add3A_297, %mul3A_305 : vector<16xf32>
      %broadcast_in_dim3A_307 = arith.constant 18 : i32
      %broadcast_in_dim3A_308 = vector.broadcast %broadcast_in_dim3A_307 : i32 to vector<16xi32>
      %add3A_309 = arith.addi %mul3A_141, %broadcast_in_dim3A_308 : vector<16xi32>
      %gather3A_310 = tpu.vector_load_idx %arg13[%add3A_138, %add3A_309] : memref<256x128xf32, #tpu.memory_space<vmem>>[vector<16xi32>, vector<16xi32>], vector<16xf32>,
      %add3A_311 = arith.addi %mul3A_145, %broadcast_in_dim3A_308 : vector<16xi32>
      %gather3A_312 = tpu.vector_load_idx %arg14[%add3A_138, %add3A_311] : memref<256x128xf32, #tpu.memory_space<vmem>>[vector<16xi32>, vector<16xi32>], vector<16xf32>,
      %mul3A_313 = arith.mulf %gather3A_310, %gather3A_312 : vector<16xf32>
      %mul3A_314 = arith.mulf %mul3A_313, %get3A_45 : vector<16xf32>
      %add3A_315 = arith.addf %add3A_306, %mul3A_314 : vector<16xf32>
      %broadcast_in_dim3A_316 = arith.constant 19 : i32
      %broadcast_in_dim3A_317 = vector.broadcast %broadcast_in_dim3A_316 : i32 to vector<16xi32>
      %add3A_318 = arith.addi %mul3A_141, %broadcast_in_dim3A_317 : vector<16xi32>
      %gather3A_319 = tpu.vector_load_idx %arg13[%add3A_138, %add3A_318] : memref<256x128xf32, #tpu.memory_space<vmem>>[vector<16xi32>, vector<16xi32>], vector<16xf32>,
      %add3A_320 = arith.addi %mul3A_145, %broadcast_in_dim3A_317 : vector<16xi32>
      %gather3A_321 = tpu.vector_load_idx %arg14[%add3A_138, %add3A_320] : memref<256x128xf32, #tpu.memory_space<vmem>>[vector<16xi32>, vector<16xi32>], vector<16xf32>,
      %mul3A_322 = arith.mulf %gather3A_319, %gather3A_321 : vector<16xf32>
      %mul3A_323 = arith.mulf %mul3A_322, %get3A_47 : vector<16xf32>
      %add3A_324 = arith.addf %add3A_315, %mul3A_323 : vector<16xf32>
      %broadcast_in_dim3A_325 = arith.constant 20 : i32
      %broadcast_in_dim3A_326 = vector.broadcast %broadcast_in_dim3A_325 : i32 to vector<16xi32>
      %add3A_327 = arith.addi %mul3A_141, %broadcast_in_dim3A_326 : vector<16xi32>
      %gather3A_328 = tpu.vector_load_idx %arg13[%add3A_138, %add3A_327] : memref<256x128xf32, #tpu.memory_space<vmem>>[vector<16xi32>, vector<16xi32>], vector<16xf32>,
      %add3A_329 = arith.addi %mul3A_145, %broadcast_in_dim3A_326 : vector<16xi32>
      %gather3A_330 = tpu.vector_load_idx %arg14[%add3A_138, %add3A_329] : memref<256x128xf32, #tpu.memory_space<vmem>>[vector<16xi32>, vector<16xi32>], vector<16xf32>,
      %mul3A_331 = arith.mulf %gather3A_328, %gather3A_330 : vector<16xf32>
      %mul3A_332 = arith.mulf %mul3A_331, %get3A_49 : vector<16xf32>
      %add3A_333 = arith.addf %add3A_324, %mul3A_332 : vector<16xf32>
      %broadcast_in_dim3A_334 = arith.constant 21 : i32
      %broadcast_in_dim3A_335 = vector.broadcast %broadcast_in_dim3A_334 : i32 to vector<16xi32>
      %add3A_336 = arith.addi %mul3A_141, %broadcast_in_dim3A_335 : vector<16xi32>
      %gather3A_337 = tpu.vector_load_idx %arg13[%add3A_138, %add3A_336] : memref<256x128xf32, #tpu.memory_space<vmem>>[vector<16xi32>, vector<16xi32>], vector<16xf32>,
      %add3A_338 = arith.addi %mul3A_145, %broadcast_in_dim3A_335 : vector<16xi32>
      %gather3A_339 = tpu.vector_load_idx %arg14[%add3A_138, %add3A_338] : memref<256x128xf32, #tpu.memory_space<vmem>>[vector<16xi32>, vector<16xi32>], vector<16xf32>,
      %mul3A_340 = arith.mulf %gather3A_337, %gather3A_339 : vector<16xf32>
      %mul3A_341 = arith.mulf %mul3A_340, %get3A_51 : vector<16xf32>
      %add3A_342 = arith.addf %add3A_333, %mul3A_341 : vector<16xf32>
      %broadcast_in_dim3A_343 = arith.constant 22 : i32
      %broadcast_in_dim3A_344 = vector.broadcast %broadcast_in_dim3A_343 : i32 to vector<16xi32>
      %add3A_345 = arith.addi %mul3A_141, %broadcast_in_dim3A_344 : vector<16xi32>
      %gather3A_346 = tpu.vector_load_idx %arg13[%add3A_138, %add3A_345] : memref<256x128xf32, #tpu.memory_space<vmem>>[vector<16xi32>, vector<16xi32>], vector<16xf32>,
      %add3A_347 = arith.addi %mul3A_145, %broadcast_in_dim3A_344 : vector<16xi32>
      %gather3A_348 = tpu.vector_load_idx %arg14[%add3A_138, %add3A_347] : memref<256x128xf32, #tpu.memory_space<vmem>>[vector<16xi32>, vector<16xi32>], vector<16xf32>,
      %mul3A_349 = arith.mulf %gather3A_346, %gather3A_348 : vector<16xf32>
      %mul3A_350 = arith.mulf %mul3A_349, %get3A_53 : vector<16xf32>
      %add3A_351 = arith.addf %add3A_342, %mul3A_350 : vector<16xf32>
      %broadcast_in_dim3A_352 = arith.constant 23 : i32
      %broadcast_in_dim3A_353 = vector.broadcast %broadcast_in_dim3A_352 : i32 to vector<16xi32>
      %add3A_354 = arith.addi %mul3A_141, %broadcast_in_dim3A_353 : vector<16xi32>
      %gather3A_355 = tpu.vector_load_idx %arg13[%add3A_138, %add3A_354] : memref<256x128xf32, #tpu.memory_space<vmem>>[vector<16xi32>, vector<16xi32>], vector<16xf32>,
      %add3A_356 = arith.addi %mul3A_145, %broadcast_in_dim3A_353 : vector<16xi32>
      %gather3A_357 = tpu.vector_load_idx %arg14[%add3A_138, %add3A_356] : memref<256x128xf32, #tpu.memory_space<vmem>>[vector<16xi32>, vector<16xi32>], vector<16xf32>,
      %mul3A_358 = arith.mulf %gather3A_355, %gather3A_357 : vector<16xf32>
      %mul3A_359 = arith.mulf %mul3A_358, %get3A_55 : vector<16xf32>
      %add3A_360 = arith.addf %add3A_351, %mul3A_359 : vector<16xf32>
      %broadcast_in_dim3A_361 = arith.constant 24 : i32
      %broadcast_in_dim3A_362 = vector.broadcast %broadcast_in_dim3A_361 : i32 to vector<16xi32>
      %add3A_363 = arith.addi %mul3A_141, %broadcast_in_dim3A_362 : vector<16xi32>
      %gather3A_364 = tpu.vector_load_idx %arg13[%add3A_138, %add3A_363] : memref<256x128xf32, #tpu.memory_space<vmem>>[vector<16xi32>, vector<16xi32>], vector<16xf32>,
      %add3A_365 = arith.addi %mul3A_145, %broadcast_in_dim3A_362 : vector<16xi32>
      %gather3A_366 = tpu.vector_load_idx %arg14[%add3A_138, %add3A_365] : memref<256x128xf32, #tpu.memory_space<vmem>>[vector<16xi32>, vector<16xi32>], vector<16xf32>,
      %mul3A_367 = arith.mulf %gather3A_364, %gather3A_366 : vector<16xf32>
      %mul3A_368 = arith.mulf %mul3A_367, %get3A_57 : vector<16xf32>
      %add3A_369 = arith.addf %add3A_360, %mul3A_368 : vector<16xf32>
      %broadcast_in_dim3A_370 = arith.constant 25 : i32
      %broadcast_in_dim3A_371 = vector.broadcast %broadcast_in_dim3A_370 : i32 to vector<16xi32>
      %add3A_372 = arith.addi %mul3A_141, %broadcast_in_dim3A_371 : vector<16xi32>
      %gather3A_373 = tpu.vector_load_idx %arg13[%add3A_138, %add3A_372] : memref<256x128xf32, #tpu.memory_space<vmem>>[vector<16xi32>, vector<16xi32>], vector<16xf32>,
      %add3A_374 = arith.addi %mul3A_145, %broadcast_in_dim3A_371 : vector<16xi32>
      %gather3A_375 = tpu.vector_load_idx %arg14[%add3A_138, %add3A_374] : memref<256x128xf32, #tpu.memory_space<vmem>>[vector<16xi32>, vector<16xi32>], vector<16xf32>,
      %mul3A_376 = arith.mulf %gather3A_373, %gather3A_375 : vector<16xf32>
      %mul3A_377 = arith.mulf %mul3A_376, %get3A_59 : vector<16xf32>
      %add3A_378 = arith.addf %add3A_369, %mul3A_377 : vector<16xf32>
      %broadcast_in_dim3A_379 = arith.constant 26 : i32
      %broadcast_in_dim3A_380 = vector.broadcast %broadcast_in_dim3A_379 : i32 to vector<16xi32>
      %add3A_381 = arith.addi %mul3A_141, %broadcast_in_dim3A_380 : vector<16xi32>
      %gather3A_382 = tpu.vector_load_idx %arg13[%add3A_138, %add3A_381] : memref<256x128xf32, #tpu.memory_space<vmem>>[vector<16xi32>, vector<16xi32>], vector<16xf32>,
      %add3A_383 = arith.addi %mul3A_145, %broadcast_in_dim3A_380 : vector<16xi32>
      %gather3A_384 = tpu.vector_load_idx %arg14[%add3A_138, %add3A_383] : memref<256x128xf32, #tpu.memory_space<vmem>>[vector<16xi32>, vector<16xi32>], vector<16xf32>,
      %mul3A_385 = arith.mulf %gather3A_382, %gather3A_384 : vector<16xf32>
      %mul3A_386 = arith.mulf %mul3A_385, %get3A_61 : vector<16xf32>
      %add3A_387 = arith.addf %add3A_378, %mul3A_386 : vector<16xf32>
      %broadcast_in_dim3A_388 = arith.constant 27 : i32
      %broadcast_in_dim3A_389 = vector.broadcast %broadcast_in_dim3A_388 : i32 to vector<16xi32>
      %add3A_390 = arith.addi %mul3A_141, %broadcast_in_dim3A_389 : vector<16xi32>
      %gather3A_391 = tpu.vector_load_idx %arg13[%add3A_138, %add3A_390] : memref<256x128xf32, #tpu.memory_space<vmem>>[vector<16xi32>, vector<16xi32>], vector<16xf32>,
      %add3A_392 = arith.addi %mul3A_145, %broadcast_in_dim3A_389 : vector<16xi32>
      %gather3A_393 = tpu.vector_load_idx %arg14[%add3A_138, %add3A_392] : memref<256x128xf32, #tpu.memory_space<vmem>>[vector<16xi32>, vector<16xi32>], vector<16xf32>,
      %mul3A_394 = arith.mulf %gather3A_391, %gather3A_393 : vector<16xf32>
      %mul3A_395 = arith.mulf %mul3A_394, %get3A_63 : vector<16xf32>
      %add3A_396 = arith.addf %add3A_387, %mul3A_395 : vector<16xf32>
      %broadcast_in_dim3A_397 = arith.constant 28 : i32
      %broadcast_in_dim3A_398 = vector.broadcast %broadcast_in_dim3A_397 : i32 to vector<16xi32>
      %add3A_399 = arith.addi %mul3A_141, %broadcast_in_dim3A_398 : vector<16xi32>
      %gather3A_400 = tpu.vector_load_idx %arg13[%add3A_138, %add3A_399] : memref<256x128xf32, #tpu.memory_space<vmem>>[vector<16xi32>, vector<16xi32>], vector<16xf32>,
      %add3A_401 = arith.addi %mul3A_145, %broadcast_in_dim3A_398 : vector<16xi32>
      %gather3A_402 = tpu.vector_load_idx %arg14[%add3A_138, %add3A_401] : memref<256x128xf32, #tpu.memory_space<vmem>>[vector<16xi32>, vector<16xi32>], vector<16xf32>,
      %mul3A_403 = arith.mulf %gather3A_400, %gather3A_402 : vector<16xf32>
      %mul3A_404 = arith.mulf %mul3A_403, %get3A_65 : vector<16xf32>
      %add3A_405 = arith.addf %add3A_396, %mul3A_404 : vector<16xf32>
      %broadcast_in_dim3A_406 = arith.constant 29 : i32
      %broadcast_in_dim3A_407 = vector.broadcast %broadcast_in_dim3A_406 : i32 to vector<16xi32>
      %add3A_408 = arith.addi %mul3A_141, %broadcast_in_dim3A_407 : vector<16xi32>
      %gather3A_409 = tpu.vector_load_idx %arg13[%add3A_138, %add3A_408] : memref<256x128xf32, #tpu.memory_space<vmem>>[vector<16xi32>, vector<16xi32>], vector<16xf32>,
      %add3A_410 = arith.addi %mul3A_145, %broadcast_in_dim3A_407 : vector<16xi32>
      %gather3A_411 = tpu.vector_load_idx %arg14[%add3A_138, %add3A_410] : memref<256x128xf32, #tpu.memory_space<vmem>>[vector<16xi32>, vector<16xi32>], vector<16xf32>,
      %mul3A_412 = arith.mulf %gather3A_409, %gather3A_411 : vector<16xf32>
      %mul3A_413 = arith.mulf %mul3A_412, %get3A_67 : vector<16xf32>
      %add3A_414 = arith.addf %add3A_405, %mul3A_413 : vector<16xf32>
      %broadcast_in_dim3A_415 = arith.constant 30 : i32
      %broadcast_in_dim3A_416 = vector.broadcast %broadcast_in_dim3A_415 : i32 to vector<16xi32>
      %add3A_417 = arith.addi %mul3A_141, %broadcast_in_dim3A_416 : vector<16xi32>
      %gather3A_418 = tpu.vector_load_idx %arg13[%add3A_138, %add3A_417] : memref<256x128xf32, #tpu.memory_space<vmem>>[vector<16xi32>, vector<16xi32>], vector<16xf32>,
      %add3A_419 = arith.addi %mul3A_145, %broadcast_in_dim3A_416 : vector<16xi32>
      %gather3A_420 = tpu.vector_load_idx %arg14[%add3A_138, %add3A_419] : memref<256x128xf32, #tpu.memory_space<vmem>>[vector<16xi32>, vector<16xi32>], vector<16xf32>,
      %mul3A_421 = arith.mulf %gather3A_418, %gather3A_420 : vector<16xf32>
      %mul3A_422 = arith.mulf %mul3A_421, %get3A_69 : vector<16xf32>
      %add3A_423 = arith.addf %add3A_414, %mul3A_422 : vector<16xf32>
      %broadcast_in_dim3A_424 = arith.constant 31 : i32
      %broadcast_in_dim3A_425 = vector.broadcast %broadcast_in_dim3A_424 : i32 to vector<16xi32>
      %add3A_426 = arith.addi %mul3A_141, %broadcast_in_dim3A_425 : vector<16xi32>
      %gather3A_427 = tpu.vector_load_idx %arg13[%add3A_138, %add3A_426] : memref<256x128xf32, #tpu.memory_space<vmem>>[vector<16xi32>, vector<16xi32>], vector<16xf32>,
      %add3A_428 = arith.addi %mul3A_145, %broadcast_in_dim3A_425 : vector<16xi32>
      %gather3A_429 = tpu.vector_load_idx %arg14[%add3A_138, %add3A_428] : memref<256x128xf32, #tpu.memory_space<vmem>>[vector<16xi32>, vector<16xi32>], vector<16xf32>,
      %mul3A_430 = arith.mulf %gather3A_427, %gather3A_429 : vector<16xf32>
      %mul3A_431 = arith.mulf %mul3A_430, %get3A_71 : vector<16xf32>
      %add3A_432 = arith.addf %add3A_423, %mul3A_431 : vector<16xf32>
      %swap3A = arith.index_cast %add3A_134 : i32 to index
      %swap3A_433 = tpu.vector_load %arg15[%swap3A] {strides = array<i32>} : memref<512xf32, #tpu.memory_space<vmem>>, vector<16xf32>,
      tpu.vector_store %arg15[%swap3A], %add3A_432 {strides = array<i32>} : memref<512xf32, #tpu.memory_space<vmem>>, vector<16xf32>,
      %scan3A_434 = arith.constant 0 : i32
      scf.yield %scan3A_434 : i32
    }
    %scan3A_128 = arith.constant 16 : i32
    "tpu.region"() ({
      %run_scoped3A = tpu.sem_alloc : memref<!tpu.dma_semaphore, #tpu.memory_space<semaphore_mem>>
      %dma_start3A_129 = tpu.memref_slice %arg8[%mul3A_2] : memref<16384xf32, #tpu.memory_space<hbm>> -> memref<512xf32, #tpu.memory_space<hbm>>
      %dma_start3A_130 = tpu.memref_slice %arg8[%mul3A_2] : memref<16384xf32, #tpu.memory_space<hbm>> -> memref<512xf32, #tpu.memory_space<hbm>>
      tpu.enqueue_dma source(%arg15 : memref<512xf32, #tpu.memory_space<vmem>>) target(%dma_start3A_130 : memref<512xf32, #tpu.memory_space<hbm>>) target_semaphore(%run_scoped3A : memref<!tpu.dma_semaphore, #tpu.memory_space<semaphore_mem>>)
      %dma_wait3A_131 = tpu.memref_slice %arg8[%mul3A_2] : memref<16384xf32, #tpu.memory_space<hbm>> -> memref<512xf32, #tpu.memory_space<hbm>>
      %dma_wait3A_132 = tpu.memref_slice %arg8[%mul3A_2] : memref<16384xf32, #tpu.memory_space<hbm>> -> memref<512xf32, #tpu.memory_space<hbm>>
      tpu.wait_dma2 semaphore(%run_scoped3A : memref<!tpu.dma_semaphore, #tpu.memory_space<semaphore_mem>>) src(%arg15 : memref<512xf32, #tpu.memory_space<vmem>>) dst(%dma_wait3A_132 : memref<512xf32, #tpu.memory_space<hbm>>)
      tpu.yield
    }) : () -> ()
    return
  }
}

module attributes {stable_mosaic.version = 14 : i64} {
  func.func @_stage_body(%arg0: i32, %arg1: memref<32x4096xf32, #tpu.memory_space<vmem>>, %arg2: memref<32x4096xf32, #tpu.memory_space<vmem>>, %arg3: memref<1024x128xf32, #tpu.memory_space<vmem>>, %arg4: memref<1024x128xf32, #tpu.memory_space<vmem>>, %arg5: memref<4096x32xf32, #tpu.memory_space<vmem>>, %arg6: memref<4096x32xf32, #tpu.memory_space<vmem>>) attributes {dimension_semantics = [#tpu.dimension_semantics<arbitrary>], iteration_bounds = array<i64: 245>, scalar_prefetch = 0 : i64, scratch_operands = 2 : i64, tpu.core_type = #tpu.core_type<tc>, window_params = [{transform_indices = @transform_0, window_bounds = array<i64: 32, 4096>}, {transform_indices = @transform_1, window_bounds = array<i64: 32, 4096>}, {transform_indices = @transform_2, window_bounds = array<i64: 1024, 128>}, {transform_indices = @transform_3, window_bounds = array<i64: 1024, 128>}]} {
    %get3A = arith.constant 0 : index
    %get3A_0 = arith.constant 0 : index
    %get3A_1 = vector.load %arg1[%get3A, %get3A_0] : memref<32x4096xf32, #tpu.memory_space<vmem>>, vector<32x4096xf32>
    %transpose3A = tpu.transpose %get3A_1, [1, 0] : vector<32x4096xf32> -> vector<4096x32xf32>
    %swap3A = arith.constant 0 : index
    %swap3A_2 = arith.constant 0 : index
    %swap3A_3 = vector.load %arg5[%swap3A, %swap3A_2] : memref<4096x32xf32, #tpu.memory_space<vmem>>, vector<4096x32xf32>
    tpu.vector_store %arg5[%swap3A, %swap3A_2], %transpose3A {strides = array<i32>} : memref<4096x32xf32, #tpu.memory_space<vmem>>, vector<4096x32xf32>,
    %get3A_4 = arith.constant 0 : index
    %get3A_5 = arith.constant 0 : index
    %get3A_6 = vector.load %arg2[%get3A_4, %get3A_5] : memref<32x4096xf32, #tpu.memory_space<vmem>>, vector<32x4096xf32>
    %transpose3A_7 = tpu.transpose %get3A_6, [1, 0] : vector<32x4096xf32> -> vector<4096x32xf32>
    %swap3A_8 = arith.constant 0 : index
    %swap3A_9 = arith.constant 0 : index
    %swap3A_10 = vector.load %arg6[%swap3A_8, %swap3A_9] : memref<4096x32xf32, #tpu.memory_space<vmem>>, vector<4096x32xf32>
    tpu.vector_store %arg6[%swap3A_8, %swap3A_9], %transpose3A_7 {strides = array<i32>} : memref<4096x32xf32, #tpu.memory_space<vmem>>, vector<4096x32xf32>,
    %get3A_11 = arith.constant 0 : index
    %get3A_12 = arith.constant 0 : index
    %get3A_13 = tpu.strided_load %arg5[%get3A_11, %get3A_12] {strides = array<i32: 4, 1>} : memref<4096x32xf32, #tpu.memory_space<vmem>>, vector<1024x32xf32>
    %swap3A_14 = arith.constant 0 : index
    %swap3A_15 = arith.constant 0 : index
    %swap3A_16 = vector.load %arg3[%swap3A_14, %swap3A_15] : memref<1024x128xf32, #tpu.memory_space<vmem>>, vector<1024x32xf32>
    tpu.vector_store %arg3[%swap3A_14, %swap3A_15], %get3A_13 {strides = array<i32>} : memref<1024x128xf32, #tpu.memory_space<vmem>>, vector<1024x32xf32>,
    %get3A_17 = arith.constant 0 : index
    %get3A_18 = arith.constant 0 : index
    %get3A_19 = tpu.strided_load %arg6[%get3A_17, %get3A_18] {strides = array<i32: 4, 1>} : memref<4096x32xf32, #tpu.memory_space<vmem>>, vector<1024x32xf32>
    %swap3A_20 = arith.constant 0 : index
    %swap3A_21 = arith.constant 0 : index
    %swap3A_22 = vector.load %arg4[%swap3A_20, %swap3A_21] : memref<1024x128xf32, #tpu.memory_space<vmem>>, vector<1024x32xf32>
    tpu.vector_store %arg4[%swap3A_20, %swap3A_21], %get3A_19 {strides = array<i32>} : memref<1024x128xf32, #tpu.memory_space<vmem>>, vector<1024x32xf32>,
    %get3A_23 = arith.constant 1 : index
    %get3A_24 = arith.constant 0 : index
    %get3A_25 = tpu.strided_load %arg5[%get3A_23, %get3A_24] {strides = array<i32: 4, 1>} : memref<4096x32xf32, #tpu.memory_space<vmem>>, vector<1024x32xf32>
    %swap3A_26 = arith.constant 0 : index
    %swap3A_27 = arith.constant 32 : index
    %swap3A_28 = vector.load %arg3[%swap3A_26, %swap3A_27] : memref<1024x128xf32, #tpu.memory_space<vmem>>, vector<1024x32xf32>
    tpu.vector_store %arg3[%swap3A_26, %swap3A_27], %get3A_25 {strides = array<i32>} : memref<1024x128xf32, #tpu.memory_space<vmem>>, vector<1024x32xf32>,
    %get3A_29 = arith.constant 1 : index
    %get3A_30 = arith.constant 0 : index
    %get3A_31 = tpu.strided_load %arg6[%get3A_29, %get3A_30] {strides = array<i32: 4, 1>} : memref<4096x32xf32, #tpu.memory_space<vmem>>, vector<1024x32xf32>
    %swap3A_32 = arith.constant 0 : index
    %swap3A_33 = arith.constant 32 : index
    %swap3A_34 = vector.load %arg4[%swap3A_32, %swap3A_33] : memref<1024x128xf32, #tpu.memory_space<vmem>>, vector<1024x32xf32>
    tpu.vector_store %arg4[%swap3A_32, %swap3A_33], %get3A_31 {strides = array<i32>} : memref<1024x128xf32, #tpu.memory_space<vmem>>, vector<1024x32xf32>,
    %get3A_35 = arith.constant 2 : index
    %get3A_36 = arith.constant 0 : index
    %get3A_37 = tpu.strided_load %arg5[%get3A_35, %get3A_36] {strides = array<i32: 4, 1>} : memref<4096x32xf32, #tpu.memory_space<vmem>>, vector<1024x32xf32>
    %swap3A_38 = arith.constant 0 : index
    %swap3A_39 = arith.constant 64 : index
    %swap3A_40 = vector.load %arg3[%swap3A_38, %swap3A_39] : memref<1024x128xf32, #tpu.memory_space<vmem>>, vector<1024x32xf32>
    tpu.vector_store %arg3[%swap3A_38, %swap3A_39], %get3A_37 {strides = array<i32>} : memref<1024x128xf32, #tpu.memory_space<vmem>>, vector<1024x32xf32>,
    %get3A_41 = arith.constant 2 : index
    %get3A_42 = arith.constant 0 : index
    %get3A_43 = tpu.strided_load %arg6[%get3A_41, %get3A_42] {strides = array<i32: 4, 1>} : memref<4096x32xf32, #tpu.memory_space<vmem>>, vector<1024x32xf32>
    %swap3A_44 = arith.constant 0 : index
    %swap3A_45 = arith.constant 64 : index
    %swap3A_46 = vector.load %arg4[%swap3A_44, %swap3A_45] : memref<1024x128xf32, #tpu.memory_space<vmem>>, vector<1024x32xf32>
    tpu.vector_store %arg4[%swap3A_44, %swap3A_45], %get3A_43 {strides = array<i32>} : memref<1024x128xf32, #tpu.memory_space<vmem>>, vector<1024x32xf32>,
    %get3A_47 = arith.constant 3 : index
    %get3A_48 = arith.constant 0 : index
    %get3A_49 = tpu.strided_load %arg5[%get3A_47, %get3A_48] {strides = array<i32: 4, 1>} : memref<4096x32xf32, #tpu.memory_space<vmem>>, vector<1024x32xf32>
    %swap3A_50 = arith.constant 0 : index
    %swap3A_51 = arith.constant 96 : index
    %swap3A_52 = vector.load %arg3[%swap3A_50, %swap3A_51] : memref<1024x128xf32, #tpu.memory_space<vmem>>, vector<1024x32xf32>
    tpu.vector_store %arg3[%swap3A_50, %swap3A_51], %get3A_49 {strides = array<i32>} : memref<1024x128xf32, #tpu.memory_space<vmem>>, vector<1024x32xf32>,
    %get3A_53 = arith.constant 3 : index
    %get3A_54 = arith.constant 0 : index
    %get3A_55 = tpu.strided_load %arg6[%get3A_53, %get3A_54] {strides = array<i32: 4, 1>} : memref<4096x32xf32, #tpu.memory_space<vmem>>, vector<1024x32xf32>
    %swap3A_56 = arith.constant 0 : index
    %swap3A_57 = arith.constant 96 : index
    %swap3A_58 = vector.load %arg4[%swap3A_56, %swap3A_57] : memref<1024x128xf32, #tpu.memory_space<vmem>>, vector<1024x32xf32>
    tpu.vector_store %arg4[%swap3A_56, %swap3A_57], %get3A_55 {strides = array<i32>} : memref<1024x128xf32, #tpu.memory_space<vmem>>, vector<1024x32xf32>,
    return
  }
  func.func @transform_0(%arg0: i32) -> (i32, i32) {
    %c0_i32 = arith.constant 0 : i32
    %c0_i32_0 = arith.constant 0 : i32
    return %c0_i32, %arg0 : i32, i32
  }
  func.func @transform_1(%arg0: i32) -> (i32, i32) {
    %c0_i32 = arith.constant 0 : i32
    %c0_i32_0 = arith.constant 0 : i32
    return %c0_i32, %arg0 : i32, i32
  }
  func.func @transform_2(%arg0: i32) -> (i32, i32) {
    %c0_i32 = arith.constant 0 : i32
    %c0_i32_0 = arith.constant 0 : i32
    return %arg0, %c0_i32 : i32, i32
  }
  func.func @transform_3(%arg0: i32) -> (i32, i32) {
    %c0_i32 = arith.constant 0 : i32
    %c0_i32_0 = arith.constant 0 : i32
    return %arg0, %c0_i32 : i32, i32
  }
}

</mosaic_0001>

<sc_bundles>
// kernel: kernel.4.cloned.1.call-start
scs
__scs_entry_jumppad:
0x0: {  	(pc) =	sbr.rel $0x88, $3  }
0x1: {  	(tag) =	ssettag $0x0;
	lr =	simm.s32 $0x1  }
0x2: {  	[smem:$0x3F9B] =	sst lr;
	_ =	strace $0xD0000000  }
0x3: {  	_ = 	snop  }
0x4: {  	_ = 	snop  }
0x5: {  	_ = 	snop  }
0x6: {  	_ = 	snop  }
0x7: {  	_ = 	snop  }
__scs_overlays_trampoline_lowered:
0x8: {  	[smem:$0x3FAA] =	sst s0  }
0x9: {  	[smem:$0x3FAB] =	sst s1  }
0xa: {  	[smem:$0x3FAC] =	sst s2  }
0xb: {  	[smem:$0x3FAD] =	sst s3  }
0xc: {  	[smem:$0x3FAE] =	sst s4  }
0xd: {  	[smem:$0x3FAF] =	sst s5  }
0xe: {  	[smem:$0x3FB0] =	sst s6  }
0xf: {  	[smem:$0x3FB1] =	sst s7  }
0x10: {  	[smem:$0x3FB2] =	sst s8  }
0x11: {  	[smem:$0x3FB3] =	sst s9;
	s0 =	simm.s32 @!p0 $0x0  }
0x12: {  	s1 =	sld [smem:$0x3F99];
	s0 =	simm.s32 @p0 $0x1  }
0x13: {  	[smem:$0x3FB4] =	sst s0;
	s0 =	simm.s32 @!p1 $0x0  }
0x14: {  	s2 =	sld [smem:$0x3F98];
	s0 =	simm.s32 @p1 $0x1  }
0x15: {  	[smem:$0x3FB5] =	sst s0;
	s0 =	simm.s32 @!p2 $0x0  }
0x16: {  	s3 =	sld [smem:$0x3FDB];
	s0 =	simm.s32 @p2 $0x1  }
0x17: {  	s4 =	simm.s32 $0x1BF5;
	[smem:$0x3FB7] =	sst s0  }
0x18: {  	s0 =	sld [smem:$0x3F9A];
	_ =	swait.ge [sflag:s4], $0x0  }
0x19: {  	s7 =	sld [smem:$0x3F9B]  }
0x1a: {  	s8 =	sadd.s32 $0xFFFFE003, lr  }
0x1b: {  	s9 =	sadd.s32 $0xFFFFFEF7, lr;
	s5 =	simm.s32 $0xFFFFFFFF;
	p2 =	slt.u32 s8, $0xFFFFF086  }
0x1c: {  	p1 =	slt.u32 s9, $0xF7A;
	s5 =	simm.s32 @!p2 $0x0  }
0x1d: {  	s5 =	simm.s32 @p1 $0x1;
	p0 =	seq.s32 s7, s2  }
0x1e: {  	s7 =	smul.u32 @!p0 $0xF7A, s2;
	p2 =	seq.s32 @!p0 s5, $0x0  }
0x1f: {  	s9 =	smul.u32 $0xF7A, s1;
	s8 =	simm.s32 @!p0 $0x1BF5;
	p2 =	por !p2, p0  }
0x20: {  	[sflag:s8] =	ssyncset.s32 @!p0 $0xFFFFF086;
	s6 =	sadd.s32 @!p0 s3, s7;
	s7 =	simm.s32 @!p0 $0x108  }
0x21: {  	s3 =	sadd.s32 s3, s9;
	s6 =	sadd.s32 @!p0 $0x88, s6;
	s7 =	simm.s32 @p2 $0x1082  }
0x22: {  	[simem:s7], [sflag:s8] =	dma.local @!p0 [hbm:s6], $0xF7A  }
0x23: {  	s9 =	sor.u32 $0xD0000000, s2;
	s6 =	simm.s32 $0x108;
	_ =	swait.ge @!p0 [sflag:s8], $0x0  }
0x24: {  	s3 =	sadd.s32 $0x88, s3;
	s6 =	simm.s32 @!p1 $0x1082;
	[sflag:s4] =	ssyncset.s32 $0xFFFFF086  }
0x25: {  	[simem:s6], [sflag:s4] =	dma.local [hbm:s3], $0xF7A  }
0x26: {  	[smem:$0x3F9B] =	sst s1;
	(tag) =	ssettag s2;
	_ =	strace s9  }
0x27: {  	s1 =	sld [smem:$0x3FAB]  }
0x28: {  	s2 =	sld [smem:$0x3FAC]  }
0x29: {  	s4 =	sld [smem:$0x3FAE]  }
0x2a: {  	p0 =	seq.s32 s5, $0x0;
	s5 =	sld [smem:$0x3FAF]  }
0x2b: {  	s6 =	sld [smem:$0x3FB0]  }
0x2c: {  	s7 =	sld [smem:$0x3FB1]  }
0x2d: {  	s3 =	simm.s32 $0x108;
	s8 =	sld [smem:$0x3FB2]  }
0x2e: {  	s3 =	simm.s32 @!p0 $0x1082;
	s9 =	sld [smem:$0x3FB3]  }
0x2f: {  	lr =	sadd.s32 s0, s3;
	s0 =	sld [smem:$0x3FAA]  }
0x30: {  	s3 =	sld [smem:$0x3FAD]  }
0x31: {  	[smem:$0x3FB6] =	sst s10  }
0x32: {  	s10 =	sld [smem:$0x3FB4];
	_ =	sdelay $0x3  }
0x33: {  	p0 =	seq.s32 s10, $0x1;
	s10 =	sld [smem:$0x3FB6];
	_ =	sdelay $0x3  }
0x34: {  	[smem:$0x3FB6] =	sst s10  }
0x35: {  	s10 =	sld [smem:$0x3FB5];
	_ =	sdelay $0x3  }
0x36: {  	p1 =	seq.s32 s10, $0x1;
	s10 =	sld [smem:$0x3FB6];
	_ =	sdelay $0x3  }
0x37: {  	[smem:$0x3FB6] =	sst s10  }
0x38: {  	s10 =	sld [smem:$0x3FB7]  }
0x39: {  	_ = 	snop;
	(pc) =	sbr.ind lr, $3  }
0x3a: {  	_ = 	snop  }
0x3b: {  	_ = 	snop  }
0x3c: {  	p2 =	seq.s32 s10, $0x1;
	s10 =	sld [smem:$0x3FB6]  }
0x3d: {  	_ =	shalt  }
0x3e: {  	_ =	shalt  }
0x3f: {  	_ =	shalt  }
0x40: {  	_ =	shalt  }
0x41: {  	_ =	shalt  }
0x42: {  	_ =	shalt  }
0x43: {  	_ =	shalt  }
0x44: {  	_ =	shalt  }
0x45: {  	_ =	shalt  }
0x46: {  	_ =	shalt  }
0x47: {  	_ =	shalt  }
0x48: {  	_ =	shalt  }
0x49: {  	_ =	shalt  }
0x4a: {  	_ =	shalt  }
0x4b: {  	_ =	shalt  }
0x4c: {  	_ =	shalt  }
0x4d: {  	_ =	shalt  }
0x4e: {  	_ =	shalt  }
0x4f: {  	_ =	shalt  }
0x50: {  	_ =	shalt  }
0x51: {  	_ =	shalt  }
0x52: {  	_ =	shalt  }
0x53: {  	_ =	shalt  }
0x54: {  	_ =	shalt  }
0x55: {  	_ =	shalt  }
0x56: {  	_ =	shalt  }
0x57: {  	_ =	shalt  }
0x58: {  	_ =	shalt  }
0x59: {  	_ =	shalt  }
0x5a: {  	_ =	shalt  }
0x5b: {  	_ =	shalt  }
0x5c: {  	_ =	shalt  }
0x5d: {  	_ =	shalt  }
0x5e: {  	_ =	shalt  }
0x5f: {  	_ =	shalt  }
0x60: {  	_ =	shalt  }
0x61: {  	_ =	shalt  }
0x62: {  	_ =	shalt  }
0x63: {  	_ =	shalt  }
0x64: {  	_ =	shalt  }
0x65: {  	_ =	shalt  }
0x66: {  	_ =	shalt  }
0x67: {  	_ =	shalt  }
0x68: {  	_ =	shalt  }
0x69: {  	_ =	shalt  }
0x6a: {  	_ =	shalt  }
0x6b: {  	_ =	shalt  }
0x6c: {  	_ =	shalt  }
0x6d: {  	_ =	shalt  }
0x6e: {  	_ =	shalt  }
0x6f: {  	_ =	shalt  }
0x70: {  	_ =	shalt  }
0x71: {  	_ =	shalt  }
0x72: {  	_ =	shalt  }
0x73: {  	_ =	shalt  }
0x74: {  	_ =	shalt  }
0x75: {  	_ =	shalt  }
0x76: {  	_ =	shalt  }
0x77: {  	_ =	shalt  }
0x78: {  	_ =	shalt  }
0x79: {  	_ =	shalt  }
0x7a: {  	_ =	shalt  }
0x7b: {  	_ =	shalt  }
0x7c: {  	_ =	shalt  }
0x7d: {  	_ =	shalt  }
0x7e: {  	_ =	shalt  }
0x7f: {  	_ =	shalt  }
0x80: {  	_ =	shalt  }
0x81: {  	_ =	shalt  }
0x82: {  	_ =	shalt  }
0x83: {  	_ =	shalt  }
0x84: {  	_ =	shalt  }
0x85: {  	_ =	shalt  }
0x86: {  	_ =	shalt  }
0x87: {  	_ =	shalt  }
.Lfunc_end0:
.L_simem_size_0:
called_computation_lowered:
.L_overlay_start_0:
0x88: {  	s2 =	sld [smem:$0x3FD9]  }
0x89: {  	s3 =	sld [smem:$0x3FFE];
	_ =	sdelay $0x1  }
0x8a: {  	s1 =	srdreg.scid  }
0x8b: {  	s0 =	sand.u32 $0x1, s1  }
0x8c: {  	s17 =	sshll.u32 s0, $0xA;
	s2 =	sadd.s32 s3, s2  }
0x8d: {  	s2 =	sadd.s32 s2, s17  }
0x8e: {  	[smem:$0x3FC2] =	sst s2  }
0x8f: {  	_ = 	snop  }
0x90: {  	s2 =	sld [smem:$0x3FC9]  }
0x91: {  	s18 =	sld [smem:$0x3FC8]  }
0x92: {  	s4 =	sld [smem:$0x3FD0];
	(tm) =	ssettm $0x1  }
0x93: {  	s5 =	sld [smem:$0x3FFB];
	_ =	sdelay $0x3  }
0x94: {  	_ =	strace s5  }
0x95: {  	s5 =	sld [smem:$0x3FFC];
	_ =	sdelay $0x3  }
0x96: {  	_ =	strace s5  }
0x97: {  	s5 =	sld [smem:$0x3FFD];
	_ =	sdelay $0x3  }
0x98: {  	_ =	strace s5  }
0x99: {  	_ =	strace $0x8FFFFFFF  }
0x9a: {  	s19 =	sld [smem:$0x3FDB];
	_ =	sdelay $0x1  }
0x9b: {  	s6 =	simm.s32 $_scs_section_size  }
0x9c: {  	s7 =	simm.s32 $_size__tile_overlayer_lowered;
	s8 =	simm.s32 $_tile_overlayer_lowered  }
0x9d: {  	s22 =	simm.s32 $0x1BFF;
	s21 =	sshll.u32 s8, $0x1;
	s5 =	sadd.s32 s6, s19  }
0x9e: {  	s9 =	simm.s32 $0x0;
	s20 =	sshll.u32 s7, $0x1;
	s7 =	sadd.s32 s21, s5  }
0x9f: {  	[timem:s9], [sflag:s22] =	dma.local [hbm:s7], s20  }
0xa0: {  	_ =	swait.ge [sflag:s22], s20  }
0xa1: {  	s6 =	ssub.s32 $0x0, s20;
	[sflag:s22] =	ssyncset.done $0x0  }
0xa2: {  	[sflag:s22] =	ssyncadd.s32 s6;
	_ =	sdelay $0x1  }
0xa3: {  	s23 =	simm.s32 $0x1B8B  }
0xa4: {  	_ =	swait.ge [sflag:s23], $0x1  }
0xa5: {  	[sflag:s23] =	ssyncset.done $0x0  }
0xa6: {  	s25 =	simm.s32 $0x1B8E;
	s24 =	sld [smem:$0x3FFE];
	[sflag:s23] =	ssyncadd.s32 $0xFFFFFFFF  }
0xa7: {  	s26 =	simm.s32 $execute0_lowered;
	[smem:$0x3FD2] =	sst s25  }
0xa8: {  	s7 =	sshll.u32 s26, $0x1;
	_ =	strace $0x80000046;
	[dreg:$0x1] =	wrdreg $0xFFFFFFFF  }
0xa9: {  	s28 =	simm.s32 $_size_execute0_lowered;
	s5 =	sadd.s32 s5, s7;
	[dreg:$0x0] =	wrdreg $0x0  }
0xaa: {  	s7 =	sshll.u32 s28, $0x1;
	[dreg:$0x2] =	wrdreg s5  }
0xab: {  	[dreg:$0x3] =	wrdreg s7  }
0xac: {  	[dreg:$0x4] =	wrdreg $0xC0  }
0xad: {  	_ =	task [dreg:s9], $0x5FFFF  }
0xae: {  	[dreg:$0x1] =	wrdreg $0xFFFFFFFF  }
0xaf: {  	[dreg:$0x0] =	wrdreg $0x60  }
0xb0: {  	[dreg:$0x2] =	wrdreg s2  }
0xb1: {  	[dreg:$0x3] =	wrdreg s18  }
0xb2: {  	[dreg:$0x4] =	wrdreg s24  }
0xb3: {  	[dreg:$0x5] =	wrdreg s4  }
0xb4: {  	[dreg:$0x6] =	wrdreg $0x9  }
0xb5: {  	_ =	task.clear_ibuf [dreg:s9], $0x7FFFF;
	_ =	strace $0x90000046  }
0xb6: {  	s29 =	simm.s32 $0x9;
	_ =	strace $0x80000048  }
0xb7: {  	_ =	swait.ge [sflag:s29], $0x1  }
0xb8: {  	[sflag:s29] =	ssyncadd.s32 $0xFFFFFFFF  }
0xb9: {  	_ =	strace $0x90000048  }
0xba: {  	_ =	sfence  }
0xbb: {  	s30 =	sld [smem:$0x0];
	_ =	sdelay $0x2  }
0xbc: {  	s31 =	sshll.u32 s1, $0xD;
	s1 =	sshrl.u32 s1, $0x2  }
0xbd: {  	s3 =	sand.u32 $0x4000, s31;
	s1 =	sadd.s32 s1, s30  }
0xbe: {  	s0 =	sor.u32 s3, s0;
	s1 =	sshll.u32 s1, $0x11  }
0xbf: {  	s0 =	sor.u32 s1, s0  }
0xc0: {  	s0 =	sadd.s32 $0x8F2B, s0  }
0xc1: {  	[sflag:s0] =	ssyncadd.remote.s32 $0x1  }
0xc2: {  	_ =	sfence.sel $0xFFFF  }
0xc3: {  	[dreg:$0x0] =	wrdreg $0xFFFFFFFF;
	(pc) =	sbr.abs _section_cstart, $3  }
0xc4: {  	[dreg:$0x1] =	wrdreg $0xFFFFFFFF  }
0xc5: {  	_ =	task.clear_ibuf [dreg:s9], $0x2FFFF;
	_ =	strace $0x9FFFFFFF  }
0xc6: {  	(tm) =	ssettm $0x7FFFFFFF  }
0xc7: {  	_ =	shalt  }
tec
execute0_lowered:
.L_overlay_start_1:
0x0: {  	(tag) =	ssettag $0x1  }
0x1: {  	s7 =	rddreg [dreg:$0x0]  }
0x2: {  	s8 =	rddreg [dreg:$0x1]  }
0x3: {  	s6 =	rddreg [dreg:$0x2]  }
0x4: {  	s9 =	rddreg [dreg:$0x3]  }
0x5: {  	s0 =	rddreg [dreg:$0x4];
	s1 =	simm.s32 $0x0;
	s5 =	srdreg.scid  }
0x6: {  	s2 =	stileid.u32;
	s14 =	simm.s32 $0x10C00;
	s15 =	simm.s32 $0x100  }
0x7: {  	s16 =	simm.s32 $0x400;
	s17 =	simm.s32 $0x800;
	s18 =	simm.s32 $0x600  }
0x8: {  	s19 =	simm.s32 $0x8800;
	s20 =	simm.s32 $0x1;
	s21 =	simm.s32 $0x2  }
0x9: {  	s22 =	simm.s32 $0x500;
	s23 =	simm.s32 $0x700;
	s24 =	simm.s32 $0x10800  }
0xa: {  	s25 =	simm.s32 $0x0;
	[smem:$0x7FF] =	sst s1;
	s3 =	sadd.s32 $0x800, s6  }
0xb: {  	s4 =	sadd.s32 $0x3D4800, s6;
	s5 =	sand.u32 $0x1, s5;
	s11 =	sshll.u32 s2, $0x7  }
0xc: {  	_ =	strace $0x80000047;
	s10 =	ssub.s32 $0x2, s5;
	s12 =	sshll.u32 s5, $0x6  }
0xd: {  	s5 =	sadd.s32 $0x600, s6;
	s6 =	sadd.s32 $0x7A8800, s6;
	s13 =	sshrl.u32 s10, $0x1  }
0xe: {  	s11 =	sor.u32 s12, s11;
	s12 =	simm.s32 $0x200;
	s10 =	ssub.s32 s10, s13  }
0xf: {  	v0 =	vlaneseq.u32;
	s7 =	sadd.s32 s7, s11;
	s8 =	sadd.s32 s8, s11;
	s9 =	sadd.s32 s9, s11  }
0x10: {  	v0 =	vmul.u32 $0x80, v0;
	s11 =	simm.s32 $0x3;
	s13 =	simm.s32 $0x10A00;
	s10 =	smax.u32 s10, $0x1  }
.LBB2_1:
0x11: {  	[tilespmem:s1], [sflag:$0x3] =	stream.linear.gather [hbm4b:s7+s1], $0x200, $0x38;
	[tilespmem:$0x10C10] =	vst v63  }
0x12: {  	_ =	swait.ge [sflag:s11], $0x200  }
0x13: {  	[sflag:s11] =	ssyncset.done $0x0  }
0x14: {  	[sflag:s11] =	ssyncadd.s32 $0xFFFFFE00  }
0x15: {  	[tilespmem:s12], [sflag:$0x3] =	stream.linear.gather [hbm4b:s8+s1], $0x200, $0x38;
	[tilespmem:$0x10C10] =	vst v63  }
0x16: {  	_ =	swait.ge [sflag:s11], $0x200  }
0x17: {  	[sflag:s11] =	ssyncset.done $0x0  }
0x18: {  	[sflag:s11] =	ssyncadd.s32 $0xFFFFFE00  }
0x19: {  	[tilespmem:s13], [sflag:$0x3] =	stream.linear.gather [hbm4b:s5+s1], $0x200, $0x38;
	[tilespmem:$0x10C10] =	vst v63  }
0x1a: {  	_ =	swait.ge [sflag:s11], $0x200  }
0x1b: {  	[sflag:s11] =	ssyncset.done $0x0  }
0x1c: {  	[sflag:s11] =	ssyncadd.s32 $0xFFFFFE00  }
0x1d: {  	[tilespmem:s14], [sflag:$0x3] =	stream.linear.gather [hbm4b:s6+s1], $0x10, $0x38;
	[tilespmem:$0x10C10] =	vst v63  }
0x1e: {  	_ =	swait.ge [sflag:s11], $0x10  }
0x1f: {  	[sflag:s11] =	ssyncset.done $0x0  }
0x20: {  	s26 =	simm.s32 $0x0;
	[sflag:s11] =	ssyncadd.s32 $0xFFFFFFF0  }
0x21: {  	v1 =	vld [tilespmem:s26+$0x200]  }
0x22: {  	s28 =	simm.s32 $0x40;
	v2 =	vld [tilespmem:s26+$0x0]  }
.LBB2_2:
0x23: {  	p0 =	sne.s32 s28, $0x7C0  }
.Ltmp0:
0x24: {  	_ = 	snop;
	(pc) =	sbr.rel @p0 .LBB2_2-.Ltmp0, $4  }
0x25: {  	_ = 	snop  }
0x26: {  	s29 =	sshra.s32 s28, $0x2;
	s28 =	sadd.s32 $0x40, s28;
	v3 =	vshra.s32 v1, $0x2  }
0x27: {  	v1 =	vld [tilespmem:s29+$0x200];
	v4 =	vshra.s32 v2, $0x2;
	[tilespmem:s26+$0x600] =	vst v3  }
0x28: {  	v2 =	vld [tilespmem:s29+$0x0];
	[tilespmem:s26+$0x400] =	vst v4;
	s26 =	smov.u32 s29  }
0x29: {  	_ =	sdelay $0x2  }
0x2a: {  	v1 =	vshra.s32 v1, $0x2  }
0x2b: {  	v2 =	vshra.s32 v2, $0x2;
	[tilespmem:s26+$0x600] =	vst v1  }
0x2c: {  	[tilespmem:s26+$0x400] =	vst v2  }
0x2d: {  	v32 =	vld [tilespmem:$0x10A00]  }
0x2e: {  	v31 =	vld [tilespmem:$0x10A10]  }
0x2f: {  	v30 =	vld [tilespmem:$0x10A20]  }
0x30: {  	v29 =	vld [tilespmem:$0x10A30]  }
0x31: {  	v28 =	vld [tilespmem:$0x10A40]  }
0x32: {  	v27 =	vld [tilespmem:$0x10A50]  }
0x33: {  	v26 =	vld [tilespmem:$0x10A60]  }
0x34: {  	v25 =	vld [tilespmem:$0x10A70]  }
0x35: {  	v24 =	vld [tilespmem:$0x10A80]  }
0x36: {  	v23 =	vld [tilespmem:$0x10A90]  }
0x37: {  	v22 =	vld [tilespmem:$0x10AA0]  }
0x38: {  	v21 =	vld [tilespmem:$0x10AB0]  }
0x39: {  	v20 =	vld [tilespmem:$0x10AC0]  }
0x3a: {  	v19 =	vld [tilespmem:$0x10AD0]  }
0x3b: {  	v18 =	vld [tilespmem:$0x10AE0]  }
0x3c: {  	v17 =	vld [tilespmem:$0x10AF0]  }
0x3d: {  	v16 =	vld [tilespmem:$0x10B00]  }
0x3e: {  	v15 =	vld [tilespmem:$0x10B10]  }
0x3f: {  	v14 =	vld [tilespmem:$0x10B20]  }
0x40: {  	v13 =	vld [tilespmem:$0x10B30]  }
0x41: {  	v12 =	vld [tilespmem:$0x10B40]  }
0x42: {  	v11 =	vld [tilespmem:$0x10B50]  }
0x43: {  	v10 =	vld [tilespmem:$0x10B60]  }
0x44: {  	v9 =	vld [tilespmem:$0x10B70]  }
0x45: {  	v8 =	vld [tilespmem:$0x10B80]  }
0x46: {  	v7 =	vld [tilespmem:$0x10B90]  }
0x47: {  	v6 =	vld [tilespmem:$0x10BA0]  }
0x48: {  	v5 =	vld [tilespmem:$0x10BB0]  }
0x49: {  	v4 =	vld [tilespmem:$0x10BC0]  }
0x4a: {  	v3 =	vld [tilespmem:$0x10BD0]  }
0x4b: {  	v2 =	vld [tilespmem:$0x10BE0]  }
0x4c: {  	v1 =	vld [tilespmem:$0x10BF0]  }
0x4d: {  	v33 =	vld [tilespmem:$0x10C00];
	[tilespmem:s17], [sflag:$0x1] =	stream.indirect.gather [hbm4b:s3+s15], $0x80, s16, s15, $0xb8  }
0x4e: {  	_ = 	snop  }
0x4f: {  	[tilespmem:s19], [sflag:$0x2] =	stream.indirect.gather [hbm4b:s4+s15], $0x80, s18, s15, $0xb8;
	[tilespmem:$0x10C10] =	vst v63  }
0x50: {  	_ =	swait.ge [sflag:s20], $0x8000  }
0x51: {  	[sflag:s20] =	ssyncset.done $0x0  }
0x52: {  	[sflag:s20] =	ssyncadd.s32 $0xFFFF8000  }
0x53: {  	_ =	swait.ge [sflag:s21], $0x8000  }
0x54: {  	[sflag:s21] =	ssyncset.done $0x0  }
0x55: {  	s26 =	simm.s32 $0x0;
	[sflag:s21] =	ssyncadd.s32 $0xFFFF8000  }
0x56: {  	s28 =	simm.s32 $0x200;
	v34 =	vld [tilespmem:s26+$0x0]  }
0x57: {  	v35 =	vld [tilespmem:s28+$0x0];
	_ =	sdelay $0x2  }
0x58: {  	v36 =	vmov s26  }
0x59: {  	v36 =	vshll.u32 v36, $0x7;
	v34 =	vshll.u32 v34, $0x5  }
0x5a: {  	v36 =	vor.u32 v0, v36;
	v35 =	vshll.u32 v35, $0x5;
	v34 =	vand.u32 $0x60, v34  }
0x5b: {  	v37 =	vand.u32 $0x60, v35;
	v35 =	vor.u32 v36, v34  }
0x5c: {  	v34 =	vor.u32 v36, v37  }
0x5d: {  	v55 =	vor.u32 $0x1, v35  }
0x5e: {  	v37 =	vor.u32 $0x1, v34  }
0x5f: {  	v38 =	vor.u32 $0x2, v35  }
0x60: {  	v40 =	vor.u32 $0x2, v34;
	v39 =	vld.idx.msk [tilespmem:v35+s17+$0x0], $0xffff  }
0x61: {  	v42 =	vor.u32 $0x3, v35;
	v41 =	vld.idx.msk [tilespmem:v34+s19+$0x0], $0xffff  }
0x62: {  	v43 =	vor.u32 $0x3, v34;
	v36 =	vld.idx.msk [tilespmem:v55+s17+$0x0], $0xffff  }
0x63: {  	v44 =	vor.u32 $0x4, v35;
	v37 =	vld.idx.msk [tilespmem:v37+s19+$0x0], $0xffff  }
0x64: {  	v45 =	vor.u32 $0x4, v34;
	v38 =	vld.idx.msk [tilespmem:v38+s17+$0x0], $0xffff  }
0x65: {  	v46 =	vor.u32 $0x5, v35;
	v40 =	vld.idx.msk [tilespmem:v40+s19+$0x0], $0xffff  }
0x66: {  	v47 =	vor.u32 $0x5, v34;
	v42 =	vld.idx.msk [tilespmem:v42+s17+$0x0], $0xffff  }
0x67: {  	v57 =	vor.u32 $0x6, v35;
	v56 =	vld.idx.msk [tilespmem:v43+s19+$0x0], $0xffff;
	v39 =	vmul.f32 v41, v39  }
0x68: {  	v48 =	vor.u32 $0x6, v34;
	v44 =	vld.idx.msk [tilespmem:v44+s17+$0x0], $0xffff  }
0x69: {  	v59 =	vor.u32 $0x7, v35;
	v58 =	vld.idx.msk [tilespmem:v45+s19+$0x0], $0xffff;
	v36 =	vmul.f32 v37, v36;
	v39 =	vmul.f32 v39, v32  }
0x6a: {  	v49 =	vor.u32 $0x7, v34;
	v50 =	vor.u32 $0x8, v34;
	v46 =	vld.idx.msk [tilespmem:v46+s17+$0x0], $0xffff  }
0x6b: {  	v47 =	vld.idx.msk [tilespmem:v47+s19+$0x0], $0xffff;
	v38 =	vmul.f32 v40, v38;
	v36 =	vmul.f32 v36, v31;
	v39 =	vadd.f32 v39, v33  }
0x6c: {  	v60 =	vor.u32 $0x8, v35;
	v62 =	vor.u32 $0x9, v35;
	v43 =	vld.idx.msk [tilespmem:v57+s17+$0x0], $0xffff  }
0x6d: {  	v63 =	vld.idx.msk [tilespmem:v48+s19+$0x0], $0xffff;
	v61 =	vmul.f32 v56, v42;
	v38 =	vmul.f32 v38, v30;
	v36 =	vadd.f32 v36, v39  }
0x6e: {  	v52 =	vor.u32 $0x9, v34;
	v54 =	vor.u32 $0xA, v35;
	v45 =	vld.idx.msk [tilespmem:v59+s17+$0x0], $0xffff  }
0x6f: {  	v55 =	vld.idx.msk [tilespmem:v49+s19+$0x0], $0xffff;
	v37 =	vmul.f32 v58, v44;
	v53 =	vmul.f32 v61, v29;
	v36 =	vadd.f32 v38, v36  }
0x70: {  	v59 =	vld.idx.msk [tilespmem:v50+s19+$0x0], $0xffff;
	v56 =	vor.u32 $0xA, v34;
	v57 =	vmul.f32 v47, v46  }
0x71: {  	v40 =	vld.idx.msk [tilespmem:v60+s17+$0x0], $0xffff;
	v58 =	vor.u32 $0xB, v35;
	v37 =	vmul.f32 v37, v28;
	v36 =	vadd.f32 v53, v36  }
0x72: {  	v41 =	vld.idx.msk [tilespmem:v62+s17+$0x0], $0xffff;
	v60 =	vor.u32 $0xB, v34;
	v62 =	vmul.f32 v63, v43  }
0x73: {  	v52 =	vld.idx.msk [tilespmem:v52+s19+$0x0], $0xffff;
	v63 =	vor.u32 $0xC, v35;
	v61 =	vmul.f32 v57, v27;
	v36 =	vadd.f32 v37, v36  }
0x74: {  	v39 =	vld.idx.msk [tilespmem:v54+s17+$0x0], $0xffff;
	v54 =	vmul.f32 v55, v45;
	v55 =	vor.u32 $0xD, v35  }
0x75: {  	v48 =	vor.u32 $0xC, v34;
	v56 =	vld.idx.msk [tilespmem:v56+s19+$0x0], $0xffff;
	v53 =	vmul.f32 v62, v26;
	v36 =	vadd.f32 v61, v36  }
0x76: {  	v46 =	vld.idx.msk [tilespmem:v58+s17+$0x0], $0xffff;
	v58 =	vmul.f32 v59, v40;
	v59 =	vor.u32 $0xE, v35  }
0x77: {  	v49 =	vor.u32 $0xD, v34;
	v60 =	vld.idx.msk [tilespmem:v60+s19+$0x0], $0xffff;
	v57 =	vmul.f32 v54, v25;
	v36 =	vadd.f32 v53, v36  }
0x78: {  	v42 =	vld.idx.msk [tilespmem:v63+s17+$0x0], $0xffff;
	v63 =	vmul.f32 v52, v41  }
0x79: {  	v62 =	vmul.f32 v58, v24;
	v44 =	vld.idx.msk [tilespmem:v55+s17+$0x0], $0xffff;
	v61 =	vor.u32 $0xE, v34;
	v36 =	vadd.f32 v57, v36  }
0x7a: {  	v52 =	vor.u32 $0xF, v35;
	v54 =	vmul.f32 v63, v23;
	v53 =	vld.idx.msk [tilespmem:v48+s19+$0x0], $0xffff  }
0x7b: {  	v55 =	vmul.f32 v56, v39;
	v40 =	vld.idx.msk [tilespmem:v59+s17+$0x0], $0xffff;
	v48 =	vor.u32 $0xF, v34;
	v36 =	vadd.f32 v62, v36  }
0x7c: {  	v56 =	vor.u32 $0x10, v35;
	v59 =	vmul.f32 v60, v46;
	v57 =	vld.idx.msk [tilespmem:v49+s19+$0x0], $0xffff  }
0x7d: {  	v58 =	vmul.f32 v55, v22;
	v49 =	vor.u32 $0x10, v34;
	v36 =	vadd.f32 v54, v36  }
0x7e: {  	v60 =	vor.u32 $0x11, v35;
	v63 =	vmul.f32 v59, v21;
	v61 =	vld.idx.msk [tilespmem:v61+s19+$0x0], $0xffff  }
0x7f: {  	v41 =	vld.idx.msk [tilespmem:v52+s17+$0x0], $0xffff;
	v62 =	vor.u32 $0x11, v34;
	v52 =	vmul.f32 v53, v42;
	v36 =	vadd.f32 v58, v36  }
0x80: {  	v53 =	vor.u32 $0x12, v35;
	v54 =	vld.idx.msk [tilespmem:v48+s19+$0x0], $0xffff;
	v48 =	vor.u32 $0x12, v34  }
0x81: {  	v39 =	vld.idx.msk [tilespmem:v56+s17+$0x0], $0xffff;
	v55 =	vmul.f32 v52, v20;
	v56 =	vmul.f32 v57, v44;
	v36 =	vadd.f32 v63, v36  }
0x82: {  	v57 =	vor.u32 $0x13, v35;
	v58 =	vld.idx.msk [tilespmem:v49+s19+$0x0], $0xffff;
	v49 =	vor.u32 $0x13, v34  }
0x83: {  	v46 =	vld.idx.msk [tilespmem:v60+s17+$0x0], $0xffff;
	v60 =	vmul.f32 v61, v40;
	v59 =	vmul.f32 v56, v19;
	v36 =	vadd.f32 v55, v36  }
0x84: {  	v61 =	vor.u32 $0x14, v35;
	v62 =	vld.idx.msk [tilespmem:v62+s19+$0x0], $0xffff;
	v63 =	vor.u32 $0x14, v34  }
0x85: {  	v42 =	vld.idx.msk [tilespmem:v53+s17+$0x0], $0xffff;
	v52 =	vmul.f32 v60, v18;
	v53 =	vmul.f32 v54, v41;
	v36 =	vadd.f32 v59, v36  }
0x86: {  	v54 =	vor.u32 $0x15, v35;
	v55 =	vld.idx.msk [tilespmem:v48+s19+$0x0], $0xffff;
	v48 =	vor.u32 $0x15, v34  }
0x87: {  	v44 =	vld.idx.msk [tilespmem:v57+s17+$0x0], $0xffff;
	v56 =	vmul.f32 v53, v17;
	v57 =	vmul.f32 v58, v39;
	v36 =	vadd.f32 v52, v36  }
0x88: {  	v58 =	vor.u32 $0x16, v35;
	v59 =	vld.idx.msk [tilespmem:v49+s19+$0x0], $0xffff;
	v49 =	vor.u32 $0x16, v34  }
0x89: {  	v40 =	vld.idx.msk [tilespmem:v61+s17+$0x0], $0xffff;
	v61 =	vmul.f32 v62, v46;
	v60 =	vmul.f32 v57, v16;
	v36 =	vadd.f32 v56, v36  }
0x8a: {  	v62 =	vor.u32 $0x17, v35;
	v63 =	vld.idx.msk [tilespmem:v63+s19+$0x0], $0xffff;
	v52 =	vor.u32 $0x17, v34  }
0x8b: {  	v41 =	vld.idx.msk [tilespmem:v54+s17+$0x0], $0xffff;
	v53 =	vmul.f32 v61, v15;
	v54 =	vmul.f32 v55, v42;
	v36 =	vadd.f32 v60, v36  }
0x8c: {  	v55 =	vor.u32 $0x18, v35;
	v56 =	vld.idx.msk [tilespmem:v48+s19+$0x0], $0xffff;
	v48 =	vor.u32 $0x18, v34  }
0x8d: {  	v39 =	vld.idx.msk [tilespmem:v58+s17+$0x0], $0xffff;
	v57 =	vmul.f32 v54, v14;
	v58 =	vmul.f32 v59, v44;
	v36 =	vadd.f32 v53, v36  }
0x8e: {  	v59 =	vor.u32 $0x19, v35;
	v60 =	vld.idx.msk [tilespmem:v49+s19+$0x0], $0xffff;
	v49 =	vor.u32 $0x19, v34  }
0x8f: {  	v46 =	vld.idx.msk [tilespmem:v62+s17+$0x0], $0xffff;
	v62 =	vmul.f32 v63, v40;
	v61 =	vmul.f32 v58, v13;
	v36 =	vadd.f32 v57, v36  }
0x90: {  	v63 =	vor.u32 $0x1A, v35;
	v52 =	vld.idx.msk [tilespmem:v52+s19+$0x0], $0xffff;
	v53 =	vor.u32 $0x1A, v34  }
0x91: {  	v42 =	vld.idx.msk [tilespmem:v55+s17+$0x0], $0xffff;
	v54 =	vmul.f32 v62, v12;
	v55 =	vmul.f32 v56, v41;
	v36 =	vadd.f32 v61, v36  }
0x92: {  	v56 =	vor.u32 $0x1B, v35;
	v57 =	vld.idx.msk [tilespmem:v48+s19+$0x0], $0xffff;
	v48 =	vor.u32 $0x1B, v34  }
0x93: {  	v44 =	vld.idx.msk [tilespmem:v59+s17+$0x0], $0xffff;
	v58 =	vmul.f32 v55, v11;
	v59 =	vmul.f32 v60, v39;
	v36 =	vadd.f32 v54, v36  }
0x94: {  	v60 =	vor.u32 $0x1C, v35;
	v61 =	vld.idx.msk [tilespmem:v49+s19+$0x0], $0xffff;
	v49 =	vor.u32 $0x1C, v34  }
0x95: {  	v40 =	vld.idx.msk [tilespmem:v63+s17+$0x0], $0xffff;
	v63 =	vmul.f32 v52, v46;
	v62 =	vmul.f32 v59, v10;
	v36 =	vadd.f32 v58, v36  }
0x96: {  	v52 =	vor.u32 $0x1D, v35;
	v53 =	vld.idx.msk [tilespmem:v53+s19+$0x0], $0xffff;
	v54 =	vor.u32 $0x1D, v34  }
0x97: {  	v41 =	vld.idx.msk [tilespmem:v56+s17+$0x0], $0xffff;
	v55 =	vmul.f32 v63, v9;
	v56 =	vmul.f32 v57, v42;
	v36 =	vadd.f32 v62, v36  }
0x98: {  	v59 =	vor.u32 $0x1E, v34;
	v57 =	vor.u32 $0x1E, v35;
	v58 =	vld.idx.msk [tilespmem:v48+s19+$0x0], $0xffff  }
0x99: {  	v39 =	vld.idx.msk [tilespmem:v60+s17+$0x0], $0xffff;
	v60 =	vmul.f32 v56, v8;
	v61 =	vmul.f32 v61, v44;
	v36 =	vadd.f32 v55, v36  }
0x9a: {  	v34 =	vor.u32 $0x1F, v34;
	v35 =	vor.u32 $0x1F, v35;
	v62 =	vld.idx.msk [tilespmem:v49+s19+$0x0], $0xffff  }
0x9b: {  	v63 =	vld.idx.msk [tilespmem:v52+s17+$0x0], $0xffff;
	v51 =	vmul.f32 v53, v40;
	v49 =	vmul.f32 v61, v7;
	v36 =	vadd.f32 v60, v36  }
0x9c: {  	v52 =	vld.idx.msk [tilespmem:v54+s19+$0x0], $0xffff  }
0x9d: {  	v42 =	vld.idx.msk [tilespmem:v57+s17+$0x0], $0xffff;
	v53 =	vmul.f32 v51, v6;
	v54 =	vmul.f32 v58, v41;
	v36 =	vadd.f32 v49, v36  }
0x9e: {  	v55 =	vld.idx.msk [tilespmem:v59+s19+$0x0], $0xffff  }
0x9f: {  	v34 =	vld.idx.msk [tilespmem:v34+s19+$0x0], $0xffff;
	v56 =	vmul.f32 v54, v5;
	v57 =	vmul.f32 v62, v39;
	v36 =	vadd.f32 v53, v36  }
0xa0: {  	v35 =	vld.idx.msk [tilespmem:v35+s17+$0x0], $0xffff  }
0xa1: {  	v59 =	vmul.f32 v52, v63;
	v58 =	vmul.f32 v57, v4;
	v36 =	vadd.f32 v56, v36;
	_ =	sdelay $0x1  }
0xa2: {  	v61 =	vmul.f32 v55, v42;
	v60 =	vmul.f32 v59, v3;
	v36 =	vadd.f32 v58, v36;
	_ =	sdelay $0x1  }
0xa3: {  	v34 =	vmul.f32 v34, v35;
	v62 =	vmul.f32 v61, v2;
	v36 =	vadd.f32 v60, v36;
	_ =	sdelay $0x1  }
0xa4: {  	v34 =	vmul.f32 v34, v1;
	v63 =	vadd.f32 v62, v36;
	_ =	sdelay $0x1  }
0xa5: {  	v34 =	vadd.f32 v34, v63  }
0xa6: {  	s26 =	simm.s32 $0x10800  }
0xa7: {  	s28 =	simm.s32 $0x10;
	[tilespmem:s26+$0x0] =	vst v34  }
0xa8: {  	s29 =	simm.s32 $0x210;
	v34 =	vld [tilespmem:s28+$0x0]  }
0xa9: {  	s30 =	simm.s32 $0x20;
	s31 =	simm.s32 $0x10;
	v35 =	vld [tilespmem:s29+$0x0]  }
.LBB2_4:
0xaa: {  	p0 =	sne.s32 s30, $0xF0;
	_ =	sdelay $0x1  }
0xab: {  	v36 =	vmov s28;
	s28 =	smov.u32 s30  }
0xac: {  	v36 =	vshll.u32 v36, $0x7;
	v34 =	vshll.u32 v34, $0x5  }
0xad: {  	v36 =	vor.u32 v0, v36;
	v34 =	vand.u32 $0x60, v34;
	v35 =	vshll.u32 v35, $0x5  }
0xae: {  	v37 =	vand.u32 $0x60, v35;
	v35 =	vor.u32 v36, v34  }
0xaf: {  	v34 =	vor.u32 v36, v37  }
0xb0: {  	v36 =	vor.u32 $0x1, v35  }
0xb1: {  	v37 =	vor.u32 $0x1, v34  }
0xb2: {  	v38 =	vor.u32 $0x2, v35  }
0xb3: {  	v40 =	vor.u32 $0x2, v34;
	v39 =	vld.idx.msk [tilespmem:v35+s17+$0x0], $0xffff  }
0xb4: {  	v42 =	vor.u32 $0x3, v35;
	v41 =	vld.idx.msk [tilespmem:v34+s19+$0x0], $0xffff  }
0xb5: {  	v43 =	vor.u32 $0x3, v34;
	v36 =	vld.idx.msk [tilespmem:v36+s17+$0x0], $0xffff  }
0xb6: {  	v44 =	vor.u32 $0x4, v35;
	v37 =	vld.idx.msk [tilespmem:v37+s19+$0x0], $0xffff  }
0xb7: {  	v45 =	vor.u32 $0x4, v34;
	v38 =	vld.idx.msk [tilespmem:v38+s17+$0x0], $0xffff  }
0xb8: {  	v46 =	vor.u32 $0x5, v35;
	v40 =	vld.idx.msk [tilespmem:v40+s19+$0x0], $0xffff  }
0xb9: {  	v47 =	vor.u32 $0x5, v34;
	v42 =	vld.idx.msk [tilespmem:v42+s17+$0x0], $0xffff  }
0xba: {  	v39 =	vmul.f32 v41, v39;
	v41 =	vld.idx.msk [tilespmem:v43+s19+$0x0], $0xffff;
	v43 =	vor.u32 $0x6, v35  }
0xbb: {  	v48 =	vor.u32 $0x6, v34;
	v44 =	vld.idx.msk [tilespmem:v44+s17+$0x0], $0xffff  }
0xbc: {  	v39 =	vmul.f32 v39, v32;
	v36 =	vmul.f32 v37, v36;
	v37 =	vld.idx.msk [tilespmem:v45+s19+$0x0], $0xffff;
	v45 =	vor.u32 $0x7, v35  }
0xbd: {  	v50 =	vor.u32 $0x8, v35;
	v49 =	vor.u32 $0x7, v34;
	v46 =	vld.idx.msk [tilespmem:v46+s17+$0x0], $0xffff  }
0xbe: {  	v39 =	vadd.f32 v39, v33;
	v36 =	vmul.f32 v36, v31;
	v38 =	vmul.f32 v40, v38;
	v40 =	vld.idx.msk [tilespmem:v47+s19+$0x0], $0xffff  }
0xbf: {  	v51 =	vor.u32 $0x9, v35;
	v47 =	vor.u32 $0x8, v34;
	v43 =	vld.idx.msk [tilespmem:v43+s17+$0x0], $0xffff  }
0xc0: {  	v36 =	vadd.f32 v36, v39;
	v38 =	vmul.f32 v38, v30;
	v39 =	vmul.f32 v41, v42;
	v41 =	vld.idx.msk [tilespmem:v48+s19+$0x0], $0xffff  }
0xc1: {  	v48 =	vor.u32 $0xA, v35;
	v42 =	vld.idx.msk [tilespmem:v45+s17+$0x0], $0xffff;
	v45 =	vor.u32 $0x9, v34  }
0xc2: {  	v36 =	vadd.f32 v38, v36;
	v38 =	vmul.f32 v39, v29;
	v37 =	vmul.f32 v37, v44;
	v39 =	vld.idx.msk [tilespmem:v49+s19+$0x0], $0xffff  }
0xc3: {  	v49 =	vor.u32 $0xA, v34;
	v44 =	vld.idx.msk [tilespmem:v50+s17+$0x0], $0xffff;
	v50 =	vor.u32 $0xB, v35  }
0xc4: {  	v36 =	vadd.f32 v38, v36;
	v37 =	vmul.f32 v37, v28;
	v38 =	vmul.f32 v40, v46;
	v40 =	vld.idx.msk [tilespmem:v47+s19+$0x0], $0xffff  }
0xc5: {  	v47 =	vor.u32 $0xB, v34;
	v46 =	vld.idx.msk [tilespmem:v51+s17+$0x0], $0xffff;
	v51 =	vor.u32 $0xC, v35  }
0xc6: {  	v36 =	vadd.f32 v37, v36;
	v37 =	vmul.f32 v38, v27;
	v38 =	vmul.f32 v41, v43;
	v41 =	vld.idx.msk [tilespmem:v45+s19+$0x0], $0xffff  }
0xc7: {  	v45 =	vor.u32 $0xC, v34;
	v43 =	vld.idx.msk [tilespmem:v48+s17+$0x0], $0xffff;
	v48 =	vor.u32 $0xD, v35  }
0xc8: {  	v36 =	vadd.f32 v37, v36;
	v37 =	vmul.f32 v38, v26;
	v38 =	vmul.f32 v39, v42;
	v39 =	vld.idx.msk [tilespmem:v49+s19+$0x0], $0xffff  }
0xc9: {  	v49 =	vor.u32 $0xD, v34;
	v42 =	vld.idx.msk [tilespmem:v50+s17+$0x0], $0xffff;
	v50 =	vor.u32 $0xE, v35  }
0xca: {  	v36 =	vadd.f32 v37, v36;
	v37 =	vmul.f32 v38, v25;
	v38 =	vmul.f32 v40, v44;
	v40 =	vld.idx.msk [tilespmem:v47+s19+$0x0], $0xffff  }
0xcb: {  	v47 =	vor.u32 $0xE, v34;
	v44 =	vld.idx.msk [tilespmem:v51+s17+$0x0], $0xffff;
	v51 =	vor.u32 $0xF, v35  }
0xcc: {  	v36 =	vadd.f32 v37, v36;
	v37 =	vmul.f32 v38, v24;
	v38 =	vmul.f32 v41, v46;
	v41 =	vld.idx.msk [tilespmem:v45+s19+$0x0], $0xffff  }
0xcd: {  	v46 =	vor.u32 $0xF, v34;
	v45 =	vld.idx.msk [tilespmem:v48+s17+$0x0], $0xffff;
	v48 =	vor.u32 $0x10, v35  }
0xce: {  	v36 =	vadd.f32 v37, v36;
	v37 =	vmul.f32 v38, v23;
	v38 =	vmul.f32 v39, v43;
	v39 =	vld.idx.msk [tilespmem:v49+s19+$0x0], $0xffff  }
0xcf: {  	v49 =	vor.u32 $0x10, v34;
	v43 =	vld.idx.msk [tilespmem:v50+s17+$0x0], $0xffff;
	v50 =	vor.u32 $0x11, v35  }
0xd0: {  	v36 =	vadd.f32 v37, v36;
	v37 =	vmul.f32 v38, v22;
	v38 =	vmul.f32 v40, v42;
	v40 =	vld.idx.msk [tilespmem:v47+s19+$0x0], $0xffff  }
0xd1: {  	v47 =	vor.u32 $0x11, v34;
	v42 =	vld.idx.msk [tilespmem:v51+s17+$0x0], $0xffff;
	v51 =	vor.u32 $0x12, v35  }
0xd2: {  	v36 =	vadd.f32 v37, v36;
	v37 =	vmul.f32 v38, v21;
	v38 =	vmul.f32 v41, v44;
	v41 =	vld.idx.msk [tilespmem:v46+s19+$0x0], $0xffff  }
0xd3: {  	v46 =	vor.u32 $0x12, v34;
	v44 =	vld.idx.msk [tilespmem:v48+s17+$0x0], $0xffff;
	v48 =	vor.u32 $0x13, v35  }
0xd4: {  	v36 =	vadd.f32 v37, v36;
	v37 =	vmul.f32 v38, v20;
	v38 =	vmul.f32 v39, v45;
	v39 =	vld.idx.msk [tilespmem:v49+s19+$0x0], $0xffff  }
0xd5: {  	v49 =	vor.u32 $0x13, v34;
	v45 =	vld.idx.msk [tilespmem:v50+s17+$0x0], $0xffff;
	v50 =	vor.u32 $0x14, v35  }
0xd6: {  	v36 =	vadd.f32 v37, v36;
	v37 =	vmul.f32 v38, v19;
	v38 =	vmul.f32 v40, v43;
	v40 =	vld.idx.msk [tilespmem:v47+s19+$0x0], $0xffff  }
0xd7: {  	v47 =	vor.u32 $0x14, v34;
	v43 =	vld.idx.msk [tilespmem:v51+s17+$0x0], $0xffff;
	v51 =	vor.u32 $0x15, v35  }
0xd8: {  	v36 =	vadd.f32 v37, v36;
	v37 =	vmul.f32 v38, v18;
	v38 =	vmul.f32 v41, v42;
	v41 =	vld.idx.msk [tilespmem:v46+s19+$0x0], $0xffff  }
0xd9: {  	v46 =	vor.u32 $0x15, v34;
	v42 =	vld.idx.msk [tilespmem:v48+s17+$0x0], $0xffff;
	v48 =	vor.u32 $0x16, v35  }
0xda: {  	v36 =	vadd.f32 v37, v36;
	v37 =	vmul.f32 v38, v17;
	v38 =	vmul.f32 v39, v44;
	v39 =	vld.idx.msk [tilespmem:v49+s19+$0x0], $0xffff  }
0xdb: {  	v49 =	vor.u32 $0x16, v34;
	v44 =	vld.idx.msk [tilespmem:v50+s17+$0x0], $0xffff;
	v50 =	vor.u32 $0x17, v35  }
0xdc: {  	v36 =	vadd.f32 v37, v36;
	v37 =	vmul.f32 v38, v16;
	v38 =	vmul.f32 v40, v45;
	v40 =	vld.idx.msk [tilespmem:v47+s19+$0x0], $0xffff  }
0xdd: {  	v47 =	vor.u32 $0x17, v34;
	v45 =	vld.idx.msk [tilespmem:v51+s17+$0x0], $0xffff;
	v51 =	vor.u32 $0x18, v35  }
0xde: {  	v36 =	vadd.f32 v37, v36;
	v37 =	vmul.f32 v38, v15;
	v38 =	vmul.f32 v41, v43;
	v41 =	vld.idx.msk [tilespmem:v46+s19+$0x0], $0xffff  }
0xdf: {  	v46 =	vor.u32 $0x18, v34;
	v43 =	vld.idx.msk [tilespmem:v48+s17+$0x0], $0xffff;
	v48 =	vor.u32 $0x19, v35  }
0xe0: {  	v36 =	vadd.f32 v37, v36;
	v37 =	vmul.f32 v38, v14;
	v38 =	vmul.f32 v39, v42;
	v39 =	vld.idx.msk [tilespmem:v49+s19+$0x0], $0xffff  }
0xe1: {  	v49 =	vor.u32 $0x19, v34;
	v42 =	vld.idx.msk [tilespmem:v50+s17+$0x0], $0xffff;
	v50 =	vor.u32 $0x1A, v35  }
0xe2: {  	v36 =	vadd.f32 v37, v36;
	v37 =	vmul.f32 v38, v13;
	v38 =	vmul.f32 v40, v44;
	v40 =	vld.idx.msk [tilespmem:v47+s19+$0x0], $0xffff  }
0xe3: {  	v47 =	vor.u32 $0x1A, v34;
	v44 =	vld.idx.msk [tilespmem:v51+s17+$0x0], $0xffff;
	v51 =	vor.u32 $0x1B, v35  }
0xe4: {  	v36 =	vadd.f32 v37, v36;
	v37 =	vmul.f32 v38, v12;
	v38 =	vmul.f32 v41, v45;
	v41 =	vld.idx.msk [tilespmem:v46+s19+$0x0], $0xffff  }
0xe5: {  	v46 =	vor.u32 $0x1B, v34;
	v45 =	vld.idx.msk [tilespmem:v48+s17+$0x0], $0xffff;
	v48 =	vor.u32 $0x1C, v35  }
0xe6: {  	v36 =	vadd.f32 v37, v36;
	v37 =	vmul.f32 v38, v11;
	v38 =	vmul.f32 v39, v43;
	v39 =	vld.idx.msk [tilespmem:v49+s19+$0x0], $0xffff  }
0xe7: {  	v49 =	vor.u32 $0x1C, v34;
	v43 =	vld.idx.msk [tilespmem:v50+s17+$0x0], $0xffff;
	v50 =	vor.u32 $0x1D, v35  }
0xe8: {  	v36 =	vadd.f32 v37, v36;
	v37 =	vmul.f32 v38, v10;
	v38 =	vmul.f32 v40, v42;
	v40 =	vld.idx.msk [tilespmem:v47+s19+$0x0], $0xffff  }
0xe9: {  	v47 =	vor.u32 $0x1D, v34;
	v42 =	vld.idx.msk [tilespmem:v51+s17+$0x0], $0xffff;
	v51 =	vor.u32 $0x1E, v35  }
0xea: {  	v36 =	vadd.f32 v37, v36;
	v37 =	vmul.f32 v38, v9;
	v38 =	vmul.f32 v41, v44;
	v41 =	vld.idx.msk [tilespmem:v46+s19+$0x0], $0xffff  }
0xeb: {  	v35 =	vor.u32 $0x1F, v35;
	v46 =	vor.u32 $0x1E, v34;
	v44 =	vld.idx.msk [tilespmem:v48+s17+$0x0], $0xffff  }
0xec: {  	v36 =	vadd.f32 v37, v36;
	v37 =	vmul.f32 v38, v8;
	v38 =	vmul.f32 v39, v45;
	v39 =	vld.idx.msk [tilespmem:v49+s19+$0x0], $0xffff  }
0xed: {  	v34 =	vor.u32 $0x1F, v34;
	v45 =	vld.idx.msk [tilespmem:v50+s17+$0x0], $0xffff  }
0xee: {  	v36 =	vadd.f32 v37, v36;
	v37 =	vmul.f32 v38, v7;
	v38 =	vmul.f32 v40, v43;
	v40 =	vld.idx.msk [tilespmem:v47+s19+$0x0], $0xffff  }
0xef: {  	v43 =	vld.idx.msk [tilespmem:v51+s17+$0x0], $0xffff  }
0xf0: {  	v36 =	vadd.f32 v37, v36;
	v37 =	vmul.f32 v38, v6;
	v38 =	vmul.f32 v41, v42;
	v41 =	vld.idx.msk [tilespmem:v46+s19+$0x0], $0xffff  }
0xf1: {  	v35 =	vld.idx.msk [tilespmem:v35+s17+$0x0], $0xffff  }
0xf2: {  	v36 =	vadd.f32 v37, v36;
	v37 =	vmul.f32 v38, v5;
	v38 =	vmul.f32 v39, v44;
	v34 =	vld.idx.msk [tilespmem:v34+s19+$0x0], $0xffff;
	_ =	sdelay $0x1  }
0xf3: {  	v36 =	vadd.f32 v37, v36;
	v37 =	vmul.f32 v38, v4;
	v38 =	vmul.f32 v40, v45;
	_ =	sdelay $0x1  }
0xf4: {  	v36 =	vadd.f32 v37, v36;
	v37 =	vmul.f32 v38, v3;
	v38 =	vmul.f32 v41, v43;
	_ =	sdelay $0x1  }
0xf5: {  	v36 =	vadd.f32 v37, v36;
	v37 =	vmul.f32 v38, v2;
	v34 =	vmul.f32 v34, v35;
	_ =	sdelay $0x1  }
0xf6: {  	v35 =	vadd.f32 v37, v36;
	v34 =	vmul.f32 v34, v1;
	_ =	sdelay $0x1  }
.Ltmp1:
0xf7: {  	v34 =	vadd.f32 v34, v35;
	(pc) =	sbr.rel @p0 .LBB2_4-.Ltmp1, $4  }
0xf8: {  	s26 =	sadd.s32 $0x10, s26  }
0xf9: {  	s31 =	sadd.s32 $0x10, s31;
	[tilespmem:s26+$0x0] =	vst v34  }
0xfa: {  	s29 =	sadd.s32 $0x10, s29;
	v34 =	vld [tilespmem:s31+$0x0]  }
0xfb: {  	s30 =	sadd.s32 $0x10, s30;
	v35 =	vld [tilespmem:s29+$0x0]  }
0xfc: {  	_ =	sdelay $0x1  }
0xfd: {  	v36 =	vmov s28  }
0xfe: {  	v36 =	vshll.u32 v36, $0x7;
	v34 =	vshll.u32 v34, $0x5  }
0xff: {  	v36 =	vor.u32 v0, v36;
	v34 =	vand.u32 $0x60, v34;
	v35 =	vshll.u32 v35, $0x5  }
0x100: {  	v37 =	vand.u32 $0x60, v35;
	v35 =	vor.u32 v36, v34  }
0x101: {  	v34 =	vor.u32 v36, v37  }
0x102: {  	v60 =	vor.u32 $0x1, v35  }
0x103: {  	v38 =	vor.u32 $0x2, v35  }
0x104: {  	v37 =	vor.u32 $0x1, v34  }
0x105: {  	v42 =	vor.u32 $0x3, v35;
	v39 =	vld.idx.msk [tilespmem:v35+s17+$0x0], $0xffff  }
0x106: {  	v40 =	vor.u32 $0x2, v34;
	v41 =	vld.idx.msk [tilespmem:v34+s19+$0x0], $0xffff  }
0x107: {  	v44 =	vor.u32 $0x4, v35;
	v36 =	vld.idx.msk [tilespmem:v60+s17+$0x0], $0xffff  }
0x108: {  	v43 =	vor.u32 $0x3, v34;
	v38 =	vld.idx.msk [tilespmem:v38+s17+$0x0], $0xffff  }
0x109: {  	v46 =	vor.u32 $0x5, v35;
	v37 =	vld.idx.msk [tilespmem:v37+s19+$0x0], $0xffff  }
0x10a: {  	v45 =	vor.u32 $0x4, v34;
	v42 =	vld.idx.msk [tilespmem:v42+s17+$0x0], $0xffff  }
0x10b: {  	v47 =	vor.u32 $0x5, v34;
	v40 =	vld.idx.msk [tilespmem:v40+s19+$0x0], $0xffff  }
0x10c: {  	v62 =	vor.u32 $0x6, v35;
	v44 =	vld.idx.msk [tilespmem:v44+s17+$0x0], $0xffff;
	v39 =	vmul.f32 v41, v39  }
0x10d: {  	v48 =	vor.u32 $0x6, v34;
	v61 =	vld.idx.msk [tilespmem:v43+s19+$0x0], $0xffff  }
0x10e: {  	v52 =	vor.u32 $0x7, v35;
	v46 =	vld.idx.msk [tilespmem:v46+s17+$0x0], $0xffff;
	v36 =	vmul.f32 v37, v36;
	v39 =	vmul.f32 v39, v32  }
0x10f: {  	v49 =	vor.u32 $0x7, v34;
	v50 =	vor.u32 $0x8, v34;
	v63 =	vld.idx.msk [tilespmem:v45+s19+$0x0], $0xffff  }
0x110: {  	v47 =	vld.idx.msk [tilespmem:v47+s19+$0x0], $0xffff;
	v38 =	vmul.f32 v40, v38;
	v36 =	vmul.f32 v36, v31;
	v39 =	vadd.f32 v39, v33  }
0x111: {  	v53 =	vor.u32 $0x8, v35;
	v55 =	vor.u32 $0x9, v35;
	v43 =	vld.idx.msk [tilespmem:v62+s17+$0x0], $0xffff  }
0x112: {  	v56 =	vld.idx.msk [tilespmem:v48+s19+$0x0], $0xffff;
	v54 =	vmul.f32 v61, v42;
	v38 =	vmul.f32 v38, v30;
	v36 =	vadd.f32 v36, v39  }
0x113: {  	v59 =	vor.u32 $0xA, v35;
	v57 =	vor.u32 $0x9, v34;
	v45 =	vld.idx.msk [tilespmem:v52+s17+$0x0], $0xffff  }
0x114: {  	v60 =	vld.idx.msk [tilespmem:v49+s19+$0x0], $0xffff;
	v37 =	vmul.f32 v63, v44;
	v58 =	vmul.f32 v54, v29;
	v36 =	vadd.f32 v38, v36  }
0x115: {  	v52 =	vld.idx.msk [tilespmem:v50+s19+$0x0], $0xffff;
	v61 =	vor.u32 $0xA, v34;
	v62 =	vmul.f32 v47, v46  }
0x116: {  	v40 =	vld.idx.msk [tilespmem:v53+s17+$0x0], $0xffff;
	v63 =	vor.u32 $0xB, v35;
	v37 =	vmul.f32 v37, v28;
	v36 =	vadd.f32 v58, v36  }
0x117: {  	v41 =	vld.idx.msk [tilespmem:v55+s17+$0x0], $0xffff;
	v53 =	vor.u32 $0xB, v34;
	v55 =	vmul.f32 v56, v43  }
0x118: {  	v57 =	vld.idx.msk [tilespmem:v57+s19+$0x0], $0xffff;
	v56 =	vor.u32 $0xC, v35;
	v54 =	vmul.f32 v62, v27;
	v36 =	vadd.f32 v37, v36  }
0x119: {  	v39 =	vld.idx.msk [tilespmem:v59+s17+$0x0], $0xffff;
	v59 =	vmul.f32 v60, v45;
	v60 =	vor.u32 $0xD, v35  }
0x11a: {  	v48 =	vor.u32 $0xC, v34;
	v61 =	vld.idx.msk [tilespmem:v61+s19+$0x0], $0xffff;
	v58 =	vmul.f32 v55, v26;
	v36 =	vadd.f32 v54, v36  }
0x11b: {  	v46 =	vld.idx.msk [tilespmem:v63+s17+$0x0], $0xffff;
	v63 =	vmul.f32 v52, v40;
	v52 =	vor.u32 $0xE, v35  }
0x11c: {  	v49 =	vor.u32 $0xD, v34;
	v53 =	vld.idx.msk [tilespmem:v53+s19+$0x0], $0xffff;
	v62 =	vmul.f32 v59, v25;
	v36 =	vadd.f32 v58, v36  }
0x11d: {  	v42 =	vld.idx.msk [tilespmem:v56+s17+$0x0], $0xffff;
	v56 =	vmul.f32 v57, v41  }
0x11e: {  	v55 =	vmul.f32 v63, v24;
	v44 =	vld.idx.msk [tilespmem:v60+s17+$0x0], $0xffff;
	v54 =	vor.u32 $0xE, v34;
	v36 =	vadd.f32 v62, v36  }
0x11f: {  	v57 =	vor.u32 $0xF, v35;
	v59 =	vmul.f32 v56, v23;
	v58 =	vld.idx.msk [tilespmem:v48+s19+$0x0], $0xffff  }
0x120: {  	v60 =	vmul.f32 v61, v39;
	v40 =	vld.idx.msk [tilespmem:v52+s17+$0x0], $0xffff;
	v48 =	vor.u32 $0xF, v34;
	v36 =	vadd.f32 v55, v36  }
0x121: {  	v61 =	vor.u32 $0x10, v35;
	v52 =	vmul.f32 v53, v46;
	v62 =	vld.idx.msk [tilespmem:v49+s19+$0x0], $0xffff  }
0x122: {  	v63 =	vmul.f32 v60, v22;
	v49 =	vor.u32 $0x10, v34;
	v36 =	vadd.f32 v59, v36  }
0x123: {  	v53 =	vor.u32 $0x11, v35;
	v56 =	vmul.f32 v52, v21;
	v54 =	vld.idx.msk [tilespmem:v54+s19+$0x0], $0xffff  }
0x124: {  	v41 =	vld.idx.msk [tilespmem:v57+s17+$0x0], $0xffff;
	v55 =	vor.u32 $0x11, v34;
	v57 =	vmul.f32 v58, v42;
	v36 =	vadd.f32 v63, v36  }
0x125: {  	v58 =	vor.u32 $0x12, v35;
	v59 =	vld.idx.msk [tilespmem:v48+s19+$0x0], $0xffff;
	v48 =	vor.u32 $0x12, v34  }
0x126: {  	v39 =	vld.idx.msk [tilespmem:v61+s17+$0x0], $0xffff;
	v60 =	vmul.f32 v57, v20;
	v61 =	vmul.f32 v62, v44;
	v36 =	vadd.f32 v56, v36  }
0x127: {  	v62 =	vor.u32 $0x13, v35;
	v63 =	vld.idx.msk [tilespmem:v49+s19+$0x0], $0xffff;
	v49 =	vor.u32 $0x13, v34  }
0x128: {  	v46 =	vld.idx.msk [tilespmem:v53+s17+$0x0], $0xffff;
	v53 =	vmul.f32 v54, v40;
	v52 =	vmul.f32 v61, v19;
	v36 =	vadd.f32 v60, v36  }
0x129: {  	v54 =	vor.u32 $0x14, v35;
	v55 =	vld.idx.msk [tilespmem:v55+s19+$0x0], $0xffff;
	v56 =	vor.u32 $0x14, v34  }
0x12a: {  	v42 =	vld.idx.msk [tilespmem:v58+s17+$0x0], $0xffff;
	v57 =	vmul.f32 v53, v18;
	v58 =	vmul.f32 v59, v41;
	v36 =	vadd.f32 v52, v36  }
0x12b: {  	v59 =	vor.u32 $0x15, v35;
	v60 =	vld.idx.msk [tilespmem:v48+s19+$0x0], $0xffff;
	v48 =	vor.u32 $0x15, v34  }
0x12c: {  	v44 =	vld.idx.msk [tilespmem:v62+s17+$0x0], $0xffff;
	v61 =	vmul.f32 v58, v17;
	v62 =	vmul.f32 v63, v39;
	v36 =	vadd.f32 v57, v36  }
0x12d: {  	v63 =	vor.u32 $0x16, v35;
	v52 =	vld.idx.msk [tilespmem:v49+s19+$0x0], $0xffff;
	v49 =	vor.u32 $0x16, v34  }
0x12e: {  	v40 =	vld.idx.msk [tilespmem:v54+s17+$0x0], $0xffff;
	v54 =	vmul.f32 v55, v46;
	v53 =	vmul.f32 v62, v16;
	v36 =	vadd.f32 v61, v36  }
0x12f: {  	v55 =	vor.u32 $0x17, v35;
	v56 =	vld.idx.msk [tilespmem:v56+s19+$0x0], $0xffff;
	v57 =	vor.u32 $0x17, v34  }
0x130: {  	v41 =	vld.idx.msk [tilespmem:v59+s17+$0x0], $0xffff;
	v58 =	vmul.f32 v54, v15;
	v59 =	vmul.f32 v60, v42;
	v36 =	vadd.f32 v53, v36  }
0x131: {  	v60 =	vor.u32 $0x18, v35;
	v61 =	vld.idx.msk [tilespmem:v48+s19+$0x0], $0xffff;
	v48 =	vor.u32 $0x18, v34  }
0x132: {  	v39 =	vld.idx.msk [tilespmem:v63+s17+$0x0], $0xffff;
	v62 =	vmul.f32 v59, v14;
	v63 =	vmul.f32 v52, v44;
	v36 =	vadd.f32 v58, v36  }
0x133: {  	v52 =	vor.u32 $0x19, v35;
	v53 =	vld.idx.msk [tilespmem:v49+s19+$0x0], $0xffff;
	v49 =	vor.u32 $0x19, v34  }
0x134: {  	v46 =	vld.idx.msk [tilespmem:v55+s17+$0x0], $0xffff;
	v55 =	vmul.f32 v56, v40;
	v54 =	vmul.f32 v63, v13;
	v36 =	vadd.f32 v62, v36  }
0x135: {  	v56 =	vor.u32 $0x1A, v35;
	v57 =	vld.idx.msk [tilespmem:v57+s19+$0x0], $0xffff;
	v58 =	vor.u32 $0x1A, v34  }
0x136: {  	v42 =	vld.idx.msk [tilespmem:v60+s17+$0x0], $0xffff;
	v59 =	vmul.f32 v55, v12;
	v60 =	vmul.f32 v61, v41;
	v36 =	vadd.f32 v54, v36  }
0x137: {  	v61 =	vor.u32 $0x1B, v35;
	v62 =	vld.idx.msk [tilespmem:v48+s19+$0x0], $0xffff;
	v48 =	vor.u32 $0x1B, v34  }
0x138: {  	v44 =	vld.idx.msk [tilespmem:v52+s17+$0x0], $0xffff;
	v63 =	vmul.f32 v60, v11;
	v52 =	vmul.f32 v53, v39;
	v36 =	vadd.f32 v59, v36  }
0x139: {  	v53 =	vor.u32 $0x1C, v35;
	v54 =	vld.idx.msk [tilespmem:v49+s19+$0x0], $0xffff;
	v49 =	vor.u32 $0x1C, v34  }
0x13a: {  	v40 =	vld.idx.msk [tilespmem:v56+s17+$0x0], $0xffff;
	v56 =	vmul.f32 v57, v46;
	v55 =	vmul.f32 v52, v10;
	v36 =	vadd.f32 v63, v36  }
0x13b: {  	v57 =	vor.u32 $0x1D, v35;
	v58 =	vld.idx.msk [tilespmem:v58+s19+$0x0], $0xffff;
	v59 =	vor.u32 $0x1D, v34  }
0x13c: {  	v41 =	vld.idx.msk [tilespmem:v61+s17+$0x0], $0xffff;
	v60 =	vmul.f32 v56, v9;
	v61 =	vmul.f32 v62, v42;
	v36 =	vadd.f32 v55, v36  }
0x13d: {  	v52 =	vor.u32 $0x1E, v34;
	v62 =	vor.u32 $0x1E, v35;
	v63 =	vld.idx.msk [tilespmem:v48+s19+$0x0], $0xffff  }
0x13e: {  	v39 =	vld.idx.msk [tilespmem:v53+s17+$0x0], $0xffff;
	v53 =	vmul.f32 v61, v8;
	v54 =	vmul.f32 v54, v44;
	v36 =	vadd.f32 v60, v36  }
0x13f: {  	v34 =	vor.u32 $0x1F, v34;
	v35 =	vor.u32 $0x1F, v35;
	v55 =	vld.idx.msk [tilespmem:v49+s19+$0x0], $0xffff  }
0x140: {  	v56 =	vld.idx.msk [tilespmem:v57+s17+$0x0], $0xffff;
	v58 =	vmul.f32 v58, v40;
	v57 =	vmul.f32 v54, v7;
	v36 =	vadd.f32 v53, v36  }
0x141: {  	v59 =	vld.idx.msk [tilespmem:v59+s19+$0x0], $0xffff  }
0x142: {  	v42 =	vld.idx.msk [tilespmem:v62+s17+$0x0], $0xffff;
	v60 =	vmul.f32 v58, v6;
	v61 =	vmul.f32 v63, v41;
	v36 =	vadd.f32 v57, v36  }
0x143: {  	v62 =	vld.idx.msk [tilespmem:v52+s19+$0x0], $0xffff  }
0x144: {  	v34 =	vld.idx.msk [tilespmem:v34+s19+$0x0], $0xffff;
	v63 =	vmul.f32 v61, v5;
	v43 =	vmul.f32 v55, v39;
	v36 =	vadd.f32 v60, v36  }
0x145: {  	v35 =	vld.idx.msk [tilespmem:v35+s17+$0x0], $0xffff  }
0x146: {  	v45 =	vmul.f32 v59, v56;
	v44 =	vmul.f32 v43, v4;
	v36 =	vadd.f32 v63, v36;
	_ =	sdelay $0x1  }
0x147: {  	v47 =	vmul.f32 v62, v42;
	v46 =	vmul.f32 v45, v3;
	v36 =	vadd.f32 v44, v36;
	_ =	sdelay $0x1  }
0x148: {  	v34 =	vmul.f32 v34, v35;
	v48 =	vmul.f32 v47, v2;
	v36 =	vadd.f32 v46, v36;
	_ =	sdelay $0x1  }
0x149: {  	v34 =	vmul.f32 v34, v1;
	v49 =	vadd.f32 v48, v36;
	_ =	sdelay $0x1  }
0x14a: {  	v34 =	vadd.f32 v34, v49  }
0x14b: {  	s26 =	sadd.s32 $0x10, s26  }
0x14c: {  	[tilespmem:s26+$0x0] =	vst v34;
	s26 =	simm.s32 $0x100  }
0x14d: {  	[tilespmem:s17], [sflag:$0x1] =	stream.indirect.gather [hbm4b:s3+s26], $0x80, s22, s26, $0xb8;
	[tilespmem:$0x10C10] =	vst v63  }
0x14e: {  	_ = 	snop  }
0x14f: {  	[tilespmem:s19], [sflag:$0x2] =	stream.indirect.gather [hbm4b:s4+s26], $0x80, s23, s26, $0xb8;
	[tilespmem:$0x10C10] =	vst v63  }
0x150: {  	_ =	swait.ge [sflag:s20], $0x8000  }
0x151: {  	[sflag:s20] =	ssyncset.done $0x0  }
0x152: {  	[sflag:s20] =	ssyncadd.s32 $0xFFFF8000  }
0x153: {  	_ =	swait.ge [sflag:s21], $0x8000  }
0x154: {  	[sflag:s21] =	ssyncset.done $0x0  }
0x155: {  	[sflag:s21] =	ssyncadd.s32 $0xFFFF8000  }
0x156: {  	s28 =	simm.s32 $0x300;
	v50 =	vld [tilespmem:s26+$0x0]  }
0x157: {  	v51 =	vld [tilespmem:s28+$0x0];
	_ =	sdelay $0x1  }
0x158: {  	s26 =	simm.s32 $0x0  }
0x159: {  	v52 =	vmov s26  }
0x15a: {  	v36 =	vshll.u32 v52, $0x7;
	v34 =	vshll.u32 v50, $0x5  }
0x15b: {  	v36 =	vor.u32 v0, v36;
	v35 =	vshll.u32 v51, $0x5;
	v34 =	vand.u32 $0x60, v34  }
0x15c: {  	v53 =	vand.u32 $0x60, v35;
	v35 =	vor.u32 v36, v34  }
0x15d: {  	v34 =	vor.u32 v36, v53  }
0x15e: {  	v54 =	vor.u32 $0x1, v35  }
0x15f: {  	v37 =	vor.u32 $0x1, v34  }
0x160: {  	v55 =	vor.u32 $0x2, v35  }
0x161: {  	v57 =	vor.u32 $0x2, v34;
	v56 =	vld.idx.msk [tilespmem:v35+s17+$0x0], $0xffff  }
0x162: {  	v59 =	vor.u32 $0x3, v35;
	v58 =	vld.idx.msk [tilespmem:v34+s19+$0x0], $0xffff  }
0x163: {  	v60 =	vor.u32 $0x3, v34;
	v36 =	vld.idx.msk [tilespmem:v54+s17+$0x0], $0xffff  }
0x164: {  	v61 =	vor.u32 $0x4, v35;
	v37 =	vld.idx.msk [tilespmem:v37+s19+$0x0], $0xffff  }
0x165: {  	v63 =	vor.u32 $0x5, v35;
	v38 =	vld.idx.msk [tilespmem:v55+s17+$0x0], $0xffff  }
0x166: {  	v62 =	vor.u32 $0x4, v34;
	v40 =	vld.idx.msk [tilespmem:v57+s19+$0x0], $0xffff  }
0x167: {  	v52 =	vor.u32 $0x5, v34;
	v42 =	vld.idx.msk [tilespmem:v59+s17+$0x0], $0xffff  }
0x168: {  	v53 =	vld.idx.msk [tilespmem:v60+s19+$0x0], $0xffff;
	v54 =	vor.u32 $0x6, v35;
	v39 =	vmul.f32 v58, v56  }
0x169: {  	v44 =	vld.idx.msk [tilespmem:v61+s17+$0x0], $0xffff;
	v55 =	vor.u32 $0x6, v34  }
0x16a: {  	v57 =	vor.u32 $0x7, v35;
	v46 =	vld.idx.msk [tilespmem:v63+s17+$0x0], $0xffff;
	v36 =	vmul.f32 v37, v36;
	v39 =	vmul.f32 v39, v32  }
0x16b: {  	v59 =	vor.u32 $0x8, v35;
	v56 =	vld.idx.msk [tilespmem:v62+s19+$0x0], $0xffff;
	v58 =	vor.u32 $0x7, v34  }
0x16c: {  	v47 =	vld.idx.msk [tilespmem:v52+s19+$0x0], $0xffff;
	v38 =	vmul.f32 v40, v38;
	v36 =	vmul.f32 v36, v31;
	v39 =	vadd.f32 v39, v33  }
0x16d: {  	v60 =	vor.u32 $0x8, v34;
	v52 =	vor.u32 $0x9, v34;
	v43 =	vld.idx.msk [tilespmem:v54+s17+$0x0], $0xffff  }
0x16e: {  	v61 =	vmul.f32 v53, v42;
	v63 =	vld.idx.msk [tilespmem:v55+s19+$0x0], $0xffff;
	v38 =	vmul.f32 v38, v30;
	v36 =	vadd.f32 v36, v39  }
0x16f: {  	v62 =	vor.u32 $0x9, v35;
	v45 =	vld.idx.msk [tilespmem:v57+s17+$0x0], $0xffff;
	v54 =	vor.u32 $0xA, v35  }
0x170: {  	v53 =	vmul.f32 v61, v29;
	v37 =	vmul.f32 v56, v44;
	v55 =	vld.idx.msk [tilespmem:v58+s19+$0x0], $0xffff;
	v36 =	vadd.f32 v38, v36  }
0x171: {  	v40 =	vld.idx.msk [tilespmem:v59+s17+$0x0], $0xffff;
	v57 =	vmul.f32 v47, v46;
	v56 =	vor.u32 $0xA, v34  }
0x172: {  	v59 =	vld.idx.msk [tilespmem:v60+s19+$0x0], $0xffff;
	v58 =	vor.u32 $0xB, v35;
	v37 =	vmul.f32 v37, v28;
	v36 =	vadd.f32 v53, v36  }
0x173: {  	v60 =	vor.u32 $0xB, v34;
	v52 =	vld.idx.msk [tilespmem:v52+s19+$0x0], $0xffff;
	v61 =	vmul.f32 v57, v27  }
0x174: {  	v41 =	vld.idx.msk [tilespmem:v62+s17+$0x0], $0xffff;
	v62 =	vmul.f32 v63, v43;
	v63 =	vor.u32 $0xC, v35;
	v36 =	vadd.f32 v37, v36  }
0x175: {  	v39 =	vld.idx.msk [tilespmem:v54+s17+$0x0], $0xffff;
	v54 =	vmul.f32 v55, v45;
	v55 =	vor.u32 $0xD, v35  }
0x176: {  	v48 =	vor.u32 $0xC, v34;
	v53 =	vmul.f32 v62, v26;
	v56 =	vld.idx.msk [tilespmem:v56+s19+$0x0], $0xffff;
	v36 =	vadd.f32 v61, v36  }
0x177: {  	v46 =	vld.idx.msk [tilespmem:v58+s17+$0x0], $0xffff;
	v58 =	vmul.f32 v59, v40;
	v59 =	vor.u32 $0xE, v35  }
0x178: {  	v49 =	vor.u32 $0xD, v34;
	v60 =	vld.idx.msk [tilespmem:v60+s19+$0x0], $0xffff;
	v57 =	vmul.f32 v54, v25;
	v36 =	vadd.f32 v53, v36  }
0x179: {  	v42 =	vld.idx.msk [tilespmem:v63+s17+$0x0], $0xffff;
	v63 =	vmul.f32 v52, v41  }
0x17a: {  	v62 =	vmul.f32 v58, v24;
	v61 =	vor.u32 $0xE, v34;
	v44 =	vld.idx.msk [tilespmem:v55+s17+$0x0], $0xffff;
	v36 =	vadd.f32 v57, v36  }
0x17b: {  	v52 =	vor.u32 $0xF, v35;
	v54 =	vmul.f32 v63, v23;
	v53 =	vld.idx.msk [tilespmem:v48+s19+$0x0], $0xffff  }
0x17c: {  	v55 =	vmul.f32 v56, v39;
	v40 =	vld.idx.msk [tilespmem:v59+s17+$0x0], $0xffff;
	v48 =	vor.u32 $0xF, v34;
	v36 =	vadd.f32 v62, v36  }
0x17d: {  	v56 =	vor.u32 $0x10, v35;
	v59 =	vmul.f32 v60, v46;
	v57 =	vld.idx.msk [tilespmem:v49+s19+$0x0], $0xffff  }
0x17e: {  	v58 =	vmul.f32 v55, v22;
	v49 =	vor.u32 $0x10, v34;
	v36 =	vadd.f32 v54, v36  }
0x17f: {  	v60 =	vor.u32 $0x11, v35;
	v63 =	vmul.f32 v59, v21;
	v61 =	vld.idx.msk [tilespmem:v61+s19+$0x0], $0xffff  }
0x180: {  	v41 =	vld.idx.msk [tilespmem:v52+s17+$0x0], $0xffff;
	v62 =	vor.u32 $0x11, v34;
	v52 =	vmul.f32 v53, v42;
	v36 =	vadd.f32 v58, v36  }
0x181: {  	v53 =	vor.u32 $0x12, v35;
	v54 =	vld.idx.msk [tilespmem:v48+s19+$0x0], $0xffff;
	v48 =	vor.u32 $0x12, v34  }
0x182: {  	v39 =	vld.idx.msk [tilespmem:v56+s17+$0x0], $0xffff;
	v55 =	vmul.f32 v52, v20;
	v56 =	vmul.f32 v57, v44;
	v36 =	vadd.f32 v63, v36  }
0x183: {  	v57 =	vor.u32 $0x13, v35;
	v58 =	vld.idx.msk [tilespmem:v49+s19+$0x0], $0xffff;
	v49 =	vor.u32 $0x13, v34  }
0x184: {  	v46 =	vld.idx.msk [tilespmem:v60+s17+$0x0], $0xffff;
	v60 =	vmul.f32 v61, v40;
	v59 =	vmul.f32 v56, v19;
	v36 =	vadd.f32 v55, v36  }
0x185: {  	v61 =	vor.u32 $0x14, v35;
	v62 =	vld.idx.msk [tilespmem:v62+s19+$0x0], $0xffff;
	v63 =	vor.u32 $0x14, v34  }
0x186: {  	v42 =	vld.idx.msk [tilespmem:v53+s17+$0x0], $0xffff;
	v52 =	vmul.f32 v60, v18;
	v53 =	vmul.f32 v54, v41;
	v36 =	vadd.f32 v59, v36  }
0x187: {  	v54 =	vor.u32 $0x15, v35;
	v55 =	vld.idx.msk [tilespmem:v48+s19+$0x0], $0xffff;
	v48 =	vor.u32 $0x15, v34  }
0x188: {  	v44 =	vld.idx.msk [tilespmem:v57+s17+$0x0], $0xffff;
	v56 =	vmul.f32 v53, v17;
	v57 =	vmul.f32 v58, v39;
	v36 =	vadd.f32 v52, v36  }
0x189: {  	v58 =	vor.u32 $0x16, v35;
	v59 =	vld.idx.msk [tilespmem:v49+s19+$0x0], $0xffff;
	v49 =	vor.u32 $0x16, v34  }
0x18a: {  	v40 =	vld.idx.msk [tilespmem:v61+s17+$0x0], $0xffff;
	v61 =	vmul.f32 v62, v46;
	v60 =	vmul.f32 v57, v16;
	v36 =	vadd.f32 v56, v36  }
0x18b: {  	v62 =	vor.u32 $0x17, v35;
	v63 =	vld.idx.msk [tilespmem:v63+s19+$0x0], $0xffff;
	v52 =	vor.u32 $0x17, v34  }
0x18c: {  	v41 =	vld.idx.msk [tilespmem:v54+s17+$0x0], $0xffff;
	v53 =	vmul.f32 v61, v15;
	v54 =	vmul.f32 v55, v42;
	v36 =	vadd.f32 v60, v36  }
0x18d: {  	v55 =	vor.u32 $0x18, v35;
	v56 =	vld.idx.msk [tilespmem:v48+s19+$0x0], $0xffff;
	v48 =	vor.u32 $0x18, v34  }
0x18e: {  	v39 =	vld.idx.msk [tilespmem:v58+s17+$0x0], $0xffff;
	v57 =	vmul.f32 v54, v14;
	v58 =	vmul.f32 v59, v44;
	v36 =	vadd.f32 v53, v36  }
0x18f: {  	v59 =	vor.u32 $0x19, v35;
	v60 =	vld.idx.msk [tilespmem:v49+s19+$0x0], $0xffff;
	v49 =	vor.u32 $0x19, v34  }
0x190: {  	v46 =	vld.idx.msk [tilespmem:v62+s17+$0x0], $0xffff;
	v62 =	vmul.f32 v63, v40;
	v61 =	vmul.f32 v58, v13;
	v36 =	vadd.f32 v57, v36  }
0x191: {  	v63 =	vor.u32 $0x1A, v35;
	v52 =	vld.idx.msk [tilespmem:v52+s19+$0x0], $0xffff;
	v53 =	vor.u32 $0x1A, v34  }
0x192: {  	v42 =	vld.idx.msk [tilespmem:v55+s17+$0x0], $0xffff;
	v54 =	vmul.f32 v62, v12;
	v55 =	vmul.f32 v56, v41;
	v36 =	vadd.f32 v61, v36  }
0x193: {  	v56 =	vor.u32 $0x1B, v35;
	v57 =	vld.idx.msk [tilespmem:v48+s19+$0x0], $0xffff;
	v48 =	vor.u32 $0x1B, v34  }
0x194: {  	v44 =	vld.idx.msk [tilespmem:v59+s17+$0x0], $0xffff;
	v58 =	vmul.f32 v55, v11;
	v59 =	vmul.f32 v60, v39;
	v36 =	vadd.f32 v54, v36  }
0x195: {  	v60 =	vor.u32 $0x1C, v35;
	v61 =	vld.idx.msk [tilespmem:v49+s19+$0x0], $0xffff;
	v49 =	vor.u32 $0x1C, v34  }
0x196: {  	v40 =	vld.idx.msk [tilespmem:v63+s17+$0x0], $0xffff;
	v63 =	vmul.f32 v52, v46;
	v62 =	vmul.f32 v59, v10;
	v36 =	vadd.f32 v58, v36  }
0x197: {  	v52 =	vor.u32 $0x1D, v35;
	v53 =	vld.idx.msk [tilespmem:v53+s19+$0x0], $0xffff;
	v54 =	vor.u32 $0x1D, v34  }
0x198: {  	v41 =	vld.idx.msk [tilespmem:v56+s17+$0x0], $0xffff;
	v55 =	vmul.f32 v63, v9;
	v56 =	vmul.f32 v57, v42;
	v36 =	vadd.f32 v62, v36  }
0x199: {  	v59 =	vor.u32 $0x1E, v34;
	v57 =	vor.u32 $0x1E, v35;
	v58 =	vld.idx.msk [tilespmem:v48+s19+$0x0], $0xffff  }
0x19a: {  	v39 =	vld.idx.msk [tilespmem:v60+s17+$0x0], $0xffff;
	v60 =	vmul.f32 v56, v8;
	v61 =	vmul.f32 v61, v44;
	v36 =	vadd.f32 v55, v36  }
0x19b: {  	v34 =	vor.u32 $0x1F, v34;
	v35 =	vor.u32 $0x1F, v35;
	v62 =	vld.idx.msk [tilespmem:v49+s19+$0x0], $0xffff  }
0x19c: {  	v63 =	vld.idx.msk [tilespmem:v52+s17+$0x0], $0xffff;
	v51 =	vmul.f32 v53, v40;
	v49 =	vmul.f32 v61, v7;
	v36 =	vadd.f32 v60, v36  }
0x19d: {  	v52 =	vld.idx.msk [tilespmem:v54+s19+$0x0], $0xffff  }
0x19e: {  	v42 =	vld.idx.msk [tilespmem:v57+s17+$0x0], $0xffff;
	v53 =	vmul.f32 v51, v6;
	v54 =	vmul.f32 v58, v41;
	v36 =	vadd.f32 v49, v36  }
0x19f: {  	v55 =	vld.idx.msk [tilespmem:v59+s19+$0x0], $0xffff  }
0x1a0: {  	v34 =	vld.idx.msk [tilespmem:v34+s19+$0x0], $0xffff;
	v56 =	vmul.f32 v54, v5;
	v57 =	vmul.f32 v62, v39;
	v36 =	vadd.f32 v53, v36  }
0x1a1: {  	v35 =	vld.idx.msk [tilespmem:v35+s17+$0x0], $0xffff  }
0x1a2: {  	v59 =	vmul.f32 v52, v63;
	v58 =	vmul.f32 v57, v4;
	v36 =	vadd.f32 v56, v36;
	_ =	sdelay $0x1  }
0x1a3: {  	v61 =	vmul.f32 v55, v42;
	v60 =	vmul.f32 v59, v3;
	v36 =	vadd.f32 v58, v36;
	_ =	sdelay $0x1  }
0x1a4: {  	v34 =	vmul.f32 v34, v35;
	v62 =	vmul.f32 v61, v2;
	v36 =	vadd.f32 v60, v36;
	_ =	sdelay $0x1  }
0x1a5: {  	v34 =	vmul.f32 v34, v1;
	v63 =	vadd.f32 v62, v36;
	_ =	sdelay $0x1  }
0x1a6: {  	v34 =	vadd.f32 v34, v63  }
0x1a7: {  	s26 =	simm.s32 $0x10900  }
0x1a8: {  	s28 =	simm.s32 $0x110;
	[tilespmem:s26+$0x0] =	vst v34  }
0x1a9: {  	s29 =	simm.s32 $0x310;
	v34 =	vld [tilespmem:s28+$0x0]  }
0x1aa: {  	s30 =	simm.s32 $0x10;
	s31 =	simm.s32 $0x20;
	v35 =	vld [tilespmem:s29+$0x0]  }
.LBB2_6:
0x1ab: {  	p0 =	sne.s32 s31, $0xF0;
	_ =	sdelay $0x1  }
0x1ac: {  	v36 =	vmov s30;
	s30 =	smov.u32 s31  }
0x1ad: {  	v36 =	vshll.u32 v36, $0x7;
	v34 =	vshll.u32 v34, $0x5  }
0x1ae: {  	v36 =	vor.u32 v0, v36;
	v34 =	vand.u32 $0x60, v34;
	v35 =	vshll.u32 v35, $0x5  }
0x1af: {  	v37 =	vand.u32 $0x60, v35;
	v35 =	vor.u32 v36, v34  }
0x1b0: {  	v34 =	vor.u32 v36, v37  }
0x1b1: {  	v36 =	vor.u32 $0x1, v35  }
0x1b2: {  	v37 =	vor.u32 $0x1, v34  }
0x1b3: {  	v38 =	vor.u32 $0x2, v35  }
0x1b4: {  	v40 =	vor.u32 $0x2, v34;
	v39 =	vld.idx.msk [tilespmem:v35+s17+$0x0], $0xffff  }
0x1b5: {  	v42 =	vor.u32 $0x3, v35;
	v41 =	vld.idx.msk [tilespmem:v34+s19+$0x0], $0xffff  }
0x1b6: {  	v43 =	vor.u32 $0x3, v34;
	v36 =	vld.idx.msk [tilespmem:v36+s17+$0x0], $0xffff  }
0x1b7: {  	v44 =	vor.u32 $0x4, v35;
	v37 =	vld.idx.msk [tilespmem:v37+s19+$0x0], $0xffff  }
0x1b8: {  	v45 =	vor.u32 $0x4, v34;
	v38 =	vld.idx.msk [tilespmem:v38+s17+$0x0], $0xffff  }
0x1b9: {  	v46 =	vor.u32 $0x5, v35;
	v40 =	vld.idx.msk [tilespmem:v40+s19+$0x0], $0xffff  }
0x1ba: {  	v47 =	vor.u32 $0x5, v34;
	v42 =	vld.idx.msk [tilespmem:v42+s17+$0x0], $0xffff  }
0x1bb: {  	v39 =	vmul.f32 v41, v39;
	v41 =	vld.idx.msk [tilespmem:v43+s19+$0x0], $0xffff;
	v43 =	vor.u32 $0x6, v35  }
0x1bc: {  	v48 =	vor.u32 $0x6, v34;
	v44 =	vld.idx.msk [tilespmem:v44+s17+$0x0], $0xffff  }
0x1bd: {  	v39 =	vmul.f32 v39, v32;
	v36 =	vmul.f32 v37, v36;
	v37 =	vld.idx.msk [tilespmem:v45+s19+$0x0], $0xffff;
	v45 =	vor.u32 $0x7, v35  }
0x1be: {  	v50 =	vor.u32 $0x8, v35;
	v49 =	vor.u32 $0x7, v34;
	v46 =	vld.idx.msk [tilespmem:v46+s17+$0x0], $0xffff  }
0x1bf: {  	v39 =	vadd.f32 v39, v33;
	v36 =	vmul.f32 v36, v31;
	v38 =	vmul.f32 v40, v38;
	v40 =	vld.idx.msk [tilespmem:v47+s19+$0x0], $0xffff  }
0x1c0: {  	v51 =	vor.u32 $0x9, v35;
	v47 =	vor.u32 $0x8, v34;
	v43 =	vld.idx.msk [tilespmem:v43+s17+$0x0], $0xffff  }
0x1c1: {  	v36 =	vadd.f32 v36, v39;
	v38 =	vmul.f32 v38, v30;
	v39 =	vmul.f32 v41, v42;
	v41 =	vld.idx.msk [tilespmem:v48+s19+$0x0], $0xffff  }
0x1c2: {  	v48 =	vor.u32 $0xA, v35;
	v42 =	vld.idx.msk [tilespmem:v45+s17+$0x0], $0xffff;
	v45 =	vor.u32 $0x9, v34  }
0x1c3: {  	v36 =	vadd.f32 v38, v36;
	v38 =	vmul.f32 v39, v29;
	v37 =	vmul.f32 v37, v44;
	v39 =	vld.idx.msk [tilespmem:v49+s19+$0x0], $0xffff  }
0x1c4: {  	v49 =	vor.u32 $0xA, v34;
	v44 =	vld.idx.msk [tilespmem:v50+s17+$0x0], $0xffff;
	v50 =	vor.u32 $0xB, v35  }
0x1c5: {  	v36 =	vadd.f32 v38, v36;
	v37 =	vmul.f32 v37, v28;
	v38 =	vmul.f32 v40, v46;
	v40 =	vld.idx.msk [tilespmem:v47+s19+$0x0], $0xffff  }
0x1c6: {  	v47 =	vor.u32 $0xB, v34;
	v46 =	vld.idx.msk [tilespmem:v51+s17+$0x0], $0xffff;
	v51 =	vor.u32 $0xC, v35  }
0x1c7: {  	v36 =	vadd.f32 v37, v36;
	v37 =	vmul.f32 v38, v27;
	v38 =	vmul.f32 v41, v43;
	v41 =	vld.idx.msk [tilespmem:v45+s19+$0x0], $0xffff  }
0x1c8: {  	v45 =	vor.u32 $0xC, v34;
	v43 =	vld.idx.msk [tilespmem:v48+s17+$0x0], $0xffff;
	v48 =	vor.u32 $0xD, v35  }
0x1c9: {  	v36 =	vadd.f32 v37, v36;
	v37 =	vmul.f32 v38, v26;
	v38 =	vmul.f32 v39, v42;
	v39 =	vld.idx.msk [tilespmem:v49+s19+$0x0], $0xffff  }
0x1ca: {  	v49 =	vor.u32 $0xD, v34;
	v42 =	vld.idx.msk [tilespmem:v50+s17+$0x0], $0xffff;
	v50 =	vor.u32 $0xE, v35  }
0x1cb: {  	v36 =	vadd.f32 v37, v36;
	v37 =	vmul.f32 v38, v25;
	v38 =	vmul.f32 v40, v44;
	v40 =	vld.idx.msk [tilespmem:v47+s19+$0x0], $0xffff  }
0x1cc: {  	v47 =	vor.u32 $0xE, v34;
	v44 =	vld.idx.msk [tilespmem:v51+s17+$0x0], $0xffff;
	v51 =	vor.u32 $0xF, v35  }
0x1cd: {  	v36 =	vadd.f32 v37, v36;
	v37 =	vmul.f32 v38, v24;
	v38 =	vmul.f32 v41, v46;
	v41 =	vld.idx.msk [tilespmem:v45+s19+$0x0], $0xffff  }
0x1ce: {  	v46 =	vor.u32 $0xF, v34;
	v45 =	vld.idx.msk [tilespmem:v48+s17+$0x0], $0xffff;
	v48 =	vor.u32 $0x10, v35  }
0x1cf: {  	v36 =	vadd.f32 v37, v36;
	v37 =	vmul.f32 v38, v23;
	v38 =	vmul.f32 v39, v43;
	v39 =	vld.idx.msk [tilespmem:v49+s19+$0x0], $0xffff  }
0x1d0: {  	v49 =	vor.u32 $0x10, v34;
	v43 =	vld.idx.msk [tilespmem:v50+s17+$0x0], $0xffff;
	v50 =	vor.u32 $0x11, v35  }
0x1d1: {  	v36 =	vadd.f32 v37, v36;
	v37 =	vmul.f32 v38, v22;
	v38 =	vmul.f32 v40, v42;
	v40 =	vld.idx.msk [tilespmem:v47+s19+$0x0], $0xffff  }
0x1d2: {  	v47 =	vor.u32 $0x11, v34;
	v42 =	vld.idx.msk [tilespmem:v51+s17+$0x0], $0xffff;
	v51 =	vor.u32 $0x12, v35  }
0x1d3: {  	v36 =	vadd.f32 v37, v36;
	v37 =	vmul.f32 v38, v21;
	v38 =	vmul.f32 v41, v44;
	v41 =	vld.idx.msk [tilespmem:v46+s19+$0x0], $0xffff  }
0x1d4: {  	v46 =	vor.u32 $0x12, v34;
	v44 =	vld.idx.msk [tilespmem:v48+s17+$0x0], $0xffff;
	v48 =	vor.u32 $0x13, v35  }
0x1d5: {  	v36 =	vadd.f32 v37, v36;
	v37 =	vmul.f32 v38, v20;
	v38 =	vmul.f32 v39, v45;
	v39 =	vld.idx.msk [tilespmem:v49+s19+$0x0], $0xffff  }
0x1d6: {  	v49 =	vor.u32 $0x13, v34;
	v45 =	vld.idx.msk [tilespmem:v50+s17+$0x0], $0xffff;
	v50 =	vor.u32 $0x14, v35  }
0x1d7: {  	v36 =	vadd.f32 v37, v36;
	v37 =	vmul.f32 v38, v19;
	v38 =	vmul.f32 v40, v43;
	v40 =	vld.idx.msk [tilespmem:v47+s19+$0x0], $0xffff  }
0x1d8: {  	v47 =	vor.u32 $0x14, v34;
	v43 =	vld.idx.msk [tilespmem:v51+s17+$0x0], $0xffff;
	v51 =	vor.u32 $0x15, v35  }
0x1d9: {  	v36 =	vadd.f32 v37, v36;
	v37 =	vmul.f32 v38, v18;
	v38 =	vmul.f32 v41, v42;
	v41 =	vld.idx.msk [tilespmem:v46+s19+$0x0], $0xffff  }
0x1da: {  	v46 =	vor.u32 $0x15, v34;
	v42 =	vld.idx.msk [tilespmem:v48+s17+$0x0], $0xffff;
	v48 =	vor.u32 $0x16, v35  }
0x1db: {  	v36 =	vadd.f32 v37, v36;
	v37 =	vmul.f32 v38, v17;
	v38 =	vmul.f32 v39, v44;
	v39 =	vld.idx.msk [tilespmem:v49+s19+$0x0], $0xffff  }
0x1dc: {  	v49 =	vor.u32 $0x16, v34;
	v44 =	vld.idx.msk [tilespmem:v50+s17+$0x0], $0xffff;
	v50 =	vor.u32 $0x17, v35  }
0x1dd: {  	v36 =	vadd.f32 v37, v36;
	v37 =	vmul.f32 v38, v16;
	v38 =	vmul.f32 v40, v45;
	v40 =	vld.idx.msk [tilespmem:v47+s19+$0x0], $0xffff  }
0x1de: {  	v47 =	vor.u32 $0x17, v34;
	v45 =	vld.idx.msk [tilespmem:v51+s17+$0x0], $0xffff;
	v51 =	vor.u32 $0x18, v35  }
0x1df: {  	v36 =	vadd.f32 v37, v36;
	v37 =	vmul.f32 v38, v15;
	v38 =	vmul.f32 v41, v43;
	v41 =	vld.idx.msk [tilespmem:v46+s19+$0x0], $0xffff  }
0x1e0: {  	v46 =	vor.u32 $0x18, v34;
	v43 =	vld.idx.msk [tilespmem:v48+s17+$0x0], $0xffff;
	v48 =	vor.u32 $0x19, v35  }
0x1e1: {  	v36 =	vadd.f32 v37, v36;
	v37 =	vmul.f32 v38, v14;
	v38 =	vmul.f32 v39, v42;
	v39 =	vld.idx.msk [tilespmem:v49+s19+$0x0], $0xffff  }
0x1e2: {  	v49 =	vor.u32 $0x19, v34;
	v42 =	vld.idx.msk [tilespmem:v50+s17+$0x0], $0xffff;
	v50 =	vor.u32 $0x1A, v35  }
0x1e3: {  	v36 =	vadd.f32 v37, v36;
	v37 =	vmul.f32 v38, v13;
	v38 =	vmul.f32 v40, v44;
	v40 =	vld.idx.msk [tilespmem:v47+s19+$0x0], $0xffff  }
0x1e4: {  	v47 =	vor.u32 $0x1A, v34;
	v44 =	vld.idx.msk [tilespmem:v51+s17+$0x0], $0xffff;
	v51 =	vor.u32 $0x1B, v35  }
0x1e5: {  	v36 =	vadd.f32 v37, v36;
	v37 =	vmul.f32 v38, v12;
	v38 =	vmul.f32 v41, v45;
	v41 =	vld.idx.msk [tilespmem:v46+s19+$0x0], $0xffff  }
0x1e6: {  	v46 =	vor.u32 $0x1B, v34;
	v45 =	vld.idx.msk [tilespmem:v48+s17+$0x0], $0xffff;
	v48 =	vor.u32 $0x1C, v35  }
0x1e7: {  	v36 =	vadd.f32 v37, v36;
	v37 =	vmul.f32 v38, v11;
	v38 =	vmul.f32 v39, v43;
	v39 =	vld.idx.msk [tilespmem:v49+s19+$0x0], $0xffff  }
0x1e8: {  	v49 =	vor.u32 $0x1C, v34;
	v43 =	vld.idx.msk [tilespmem:v50+s17+$0x0], $0xffff;
	v50 =	vor.u32 $0x1D, v35  }
0x1e9: {  	v36 =	vadd.f32 v37, v36;
	v37 =	vmul.f32 v38, v10;
	v38 =	vmul.f32 v40, v42;
	v40 =	vld.idx.msk [tilespmem:v47+s19+$0x0], $0xffff  }
0x1ea: {  	v47 =	vor.u32 $0x1D, v34;
	v42 =	vld.idx.msk [tilespmem:v51+s17+$0x0], $0xffff;
	v51 =	vor.u32 $0x1E, v35  }
0x1eb: {  	v36 =	vadd.f32 v37, v36;
	v37 =	vmul.f32 v38, v9;
	v38 =	vmul.f32 v41, v44;
	v41 =	vld.idx.msk [tilespmem:v46+s19+$0x0], $0xffff  }
0x1ec: {  	v35 =	vor.u32 $0x1F, v35;
	v46 =	vor.u32 $0x1E, v34;
	v44 =	vld.idx.msk [tilespmem:v48+s17+$0x0], $0xffff  }
0x1ed: {  	v36 =	vadd.f32 v37, v36;
	v37 =	vmul.f32 v38, v8;
	v38 =	vmul.f32 v39, v45;
	v39 =	vld.idx.msk [tilespmem:v49+s19+$0x0], $0xffff  }
0x1ee: {  	v34 =	vor.u32 $0x1F, v34;
	v45 =	vld.idx.msk [tilespmem:v50+s17+$0x0], $0xffff  }
0x1ef: {  	v36 =	vadd.f32 v37, v36;
	v37 =	vmul.f32 v38, v7;
	v38 =	vmul.f32 v40, v43;
	v40 =	vld.idx.msk [tilespmem:v47+s19+$0x0], $0xffff  }
0x1f0: {  	v43 =	vld.idx.msk [tilespmem:v51+s17+$0x0], $0xffff  }
0x1f1: {  	v36 =	vadd.f32 v37, v36;
	v37 =	vmul.f32 v38, v6;
	v38 =	vmul.f32 v41, v42;
	v41 =	vld.idx.msk [tilespmem:v46+s19+$0x0], $0xffff  }
0x1f2: {  	v35 =	vld.idx.msk [tilespmem:v35+s17+$0x0], $0xffff  }
0x1f3: {  	v36 =	vadd.f32 v37, v36;
	v37 =	vmul.f32 v38, v5;
	v38 =	vmul.f32 v39, v44;
	v34 =	vld.idx.msk [tilespmem:v34+s19+$0x0], $0xffff;
	_ =	sdelay $0x1  }
0x1f4: {  	v36 =	vadd.f32 v37, v36;
	v37 =	vmul.f32 v38, v4;
	v38 =	vmul.f32 v40, v45;
	_ =	sdelay $0x1  }
0x1f5: {  	v36 =	vadd.f32 v37, v36;
	v37 =	vmul.f32 v38, v3;
	v38 =	vmul.f32 v41, v43;
	_ =	sdelay $0x1  }
0x1f6: {  	v36 =	vadd.f32 v37, v36;
	v37 =	vmul.f32 v38, v2;
	v34 =	vmul.f32 v34, v35;
	_ =	sdelay $0x1  }
0x1f7: {  	v35 =	vadd.f32 v37, v36;
	v34 =	vmul.f32 v34, v1;
	_ =	sdelay $0x1  }
.Ltmp2:
0x1f8: {  	v34 =	vadd.f32 v34, v35;
	(pc) =	sbr.rel @p0 .LBB2_6-.Ltmp2, $4  }
0x1f9: {  	s26 =	sadd.s32 $0x10, s26  }
0x1fa: {  	s28 =	sadd.s32 $0x10, s28;
	[tilespmem:s26+$0x0] =	vst v34  }
0x1fb: {  	s29 =	sadd.s32 $0x10, s29;
	v34 =	vld [tilespmem:s28+$0x0]  }
0x1fc: {  	s31 =	sadd.s32 $0x10, s31;
	v35 =	vld [tilespmem:s29+$0x0]  }
0x1fd: {  	_ =	sdelay $0x1  }
0x1fe: {  	v36 =	vmov s30  }
0x1ff: {  	v36 =	vshll.u32 v36, $0x7;
	v34 =	vshll.u32 v34, $0x5  }
0x200: {  	v36 =	vor.u32 v0, v36;
	v34 =	vand.u32 $0x60, v34;
	v35 =	vshll.u32 v35, $0x5  }
0x201: {  	v37 =	vand.u32 $0x60, v35;
	v35 =	vor.u32 v36, v34  }
0x202: {  	v34 =	vor.u32 v36, v37  }
0x203: {  	v61 =	vor.u32 $0x1, v35  }
0x204: {  	v37 =	vor.u32 $0x1, v34  }
0x205: {  	v38 =	vor.u32 $0x2, v35  }
0x206: {  	v40 =	vor.u32 $0x2, v34;
	v39 =	vld.idx.msk [tilespmem:v35+s17+$0x0], $0xffff  }
0x207: {  	v42 =	vor.u32 $0x3, v35;
	v41 =	vld.idx.msk [tilespmem:v34+s19+$0x0], $0xffff  }
0x208: {  	v43 =	vor.u32 $0x3, v34;
	v36 =	vld.idx.msk [tilespmem:v61+s17+$0x0], $0xffff  }
0x209: {  	v44 =	vor.u32 $0x4, v35;
	v37 =	vld.idx.msk [tilespmem:v37+s19+$0x0], $0xffff  }
0x20a: {  	v45 =	vor.u32 $0x4, v34;
	v38 =	vld.idx.msk [tilespmem:v38+s17+$0x0], $0xffff  }
0x20b: {  	v46 =	vor.u32 $0x5, v35;
	v40 =	vld.idx.msk [tilespmem:v40+s19+$0x0], $0xffff  }
0x20c: {  	v47 =	vor.u32 $0x5, v34;
	v42 =	vld.idx.msk [tilespmem:v42+s17+$0x0], $0xffff;
	v39 =	vmul.f32 v41, v39  }
0x20d: {  	v63 =	vor.u32 $0x6, v35;
	v62 =	vld.idx.msk [tilespmem:v43+s19+$0x0], $0xffff  }
0x20e: {  	v48 =	vor.u32 $0x6, v34;
	v44 =	vld.idx.msk [tilespmem:v44+s17+$0x0], $0xffff;
	v36 =	vmul.f32 v37, v36;
	v32 =	vmul.f32 v39, v32  }
0x20f: {  	v52 =	vor.u32 $0x7, v35;
	v53 =	vor.u32 $0x7, v34;
	v51 =	vld.idx.msk [tilespmem:v45+s19+$0x0], $0xffff  }
0x210: {  	v46 =	vld.idx.msk [tilespmem:v46+s17+$0x0], $0xffff;
	v54 =	vmul.f32 v40, v38;
	v31 =	vmul.f32 v36, v31;
	v32 =	vadd.f32 v32, v33  }
0x211: {  	v55 =	vor.u32 $0x8, v35;
	v57 =	vor.u32 $0x8, v34;
	v56 =	vld.idx.msk [tilespmem:v47+s19+$0x0], $0xffff  }
0x212: {  	v43 =	vld.idx.msk [tilespmem:v63+s17+$0x0], $0xffff;
	v58 =	vmul.f32 v62, v42;
	v30 =	vmul.f32 v54, v30;
	v31 =	vadd.f32 v31, v32  }
0x213: {  	v59 =	vor.u32 $0x9, v35;
	v61 =	vor.u32 $0x9, v34;
	v60 =	vld.idx.msk [tilespmem:v48+s19+$0x0], $0xffff  }
0x214: {  	v48 =	vld.idx.msk [tilespmem:v53+s19+$0x0], $0xffff;
	v62 =	vmul.f32 v51, v44;
	v29 =	vmul.f32 v58, v29;
	v30 =	vadd.f32 v30, v31  }
0x215: {  	v49 =	vor.u32 $0xA, v34;
	v63 =	vor.u32 $0xA, v35;
	v39 =	vld.idx.msk [tilespmem:v52+s17+$0x0], $0xffff  }
0x216: {  	v50 =	vmul.f32 v56, v46;
	v52 =	vld.idx.msk [tilespmem:v57+s19+$0x0], $0xffff;
	v28 =	vmul.f32 v62, v28;
	v29 =	vadd.f32 v29, v30  }
0x217: {  	v53 =	vor.u32 $0xB, v34;
	v51 =	vor.u32 $0xB, v35;
	v36 =	vld.idx.msk [tilespmem:v55+s17+$0x0], $0xffff  }
0x218: {  	v56 =	vld.idx.msk [tilespmem:v61+s19+$0x0], $0xffff;
	v27 =	vmul.f32 v50, v27;
	v54 =	vmul.f32 v60, v43;
	v28 =	vadd.f32 v28, v29  }
0x219: {  	v57 =	vor.u32 $0xC, v34;
	v55 =	vor.u32 $0xC, v35;
	v33 =	vld.idx.msk [tilespmem:v59+s17+$0x0], $0xffff  }
0x21a: {  	v60 =	vld.idx.msk [tilespmem:v49+s19+$0x0], $0xffff;
	v26 =	vmul.f32 v54, v26;
	v58 =	vmul.f32 v48, v39;
	v27 =	vadd.f32 v27, v28  }
0x21b: {  	v61 =	vor.u32 $0xD, v34;
	v59 =	vor.u32 $0xD, v35;
	v32 =	vld.idx.msk [tilespmem:v63+s17+$0x0], $0xffff  }
0x21c: {  	v44 =	vld.idx.msk [tilespmem:v53+s19+$0x0], $0xffff;
	v62 =	vmul.f32 v52, v36;
	v25 =	vmul.f32 v58, v25;
	v26 =	vadd.f32 v26, v27  }
0x21d: {  	v45 =	vor.u32 $0xE, v34;
	v63 =	vor.u32 $0xE, v35;
	v31 =	vld.idx.msk [tilespmem:v51+s17+$0x0], $0xffff  }
0x21e: {  	v48 =	vld.idx.msk [tilespmem:v57+s19+$0x0], $0xffff;
	v46 =	vmul.f32 v56, v33;
	v24 =	vmul.f32 v62, v24;
	v25 =	vadd.f32 v25, v26  }
0x21f: {  	v47 =	vor.u32 $0xF, v35;
	v49 =	vor.u32 $0xF, v34;
	v30 =	vld.idx.msk [tilespmem:v55+s17+$0x0], $0xffff  }
0x220: {  	v52 =	vld.idx.msk [tilespmem:v61+s19+$0x0], $0xffff;
	v23 =	vmul.f32 v46, v23;
	v50 =	vmul.f32 v60, v32;
	v24 =	vadd.f32 v24, v25  }
0x221: {  	v53 =	vor.u32 $0x10, v34;
	v51 =	vor.u32 $0x10, v35;
	v29 =	vld.idx.msk [tilespmem:v59+s17+$0x0], $0xffff  }
0x222: {  	v56 =	vld.idx.msk [tilespmem:v45+s19+$0x0], $0xffff;
	v22 =	vmul.f32 v50, v22;
	v54 =	vmul.f32 v44, v31;
	v23 =	vadd.f32 v23, v24  }
0x223: {  	v57 =	vor.u32 $0x11, v34;
	v55 =	vor.u32 $0x11, v35;
	v28 =	vld.idx.msk [tilespmem:v63+s17+$0x0], $0xffff  }
0x224: {  	v60 =	vld.idx.msk [tilespmem:v49+s19+$0x0], $0xffff;
	v21 =	vmul.f32 v54, v21;
	v58 =	vmul.f32 v48, v30;
	v22 =	vadd.f32 v22, v23  }
0x225: {  	v61 =	vor.u32 $0x12, v34;
	v59 =	vor.u32 $0x12, v35;
	v27 =	vld.idx.msk [tilespmem:v47+s17+$0x0], $0xffff  }
0x226: {  	v38 =	vld.idx.msk [tilespmem:v53+s19+$0x0], $0xffff;
	v20 =	vmul.f32 v58, v20;
	v62 =	vmul.f32 v52, v29;
	v21 =	vadd.f32 v21, v22  }
0x227: {  	v39 =	vor.u32 $0x13, v34;
	v63 =	vor.u32 $0x13, v35;
	v26 =	vld.idx.msk [tilespmem:v51+s17+$0x0], $0xffff  }
0x228: {  	v42 =	vld.idx.msk [tilespmem:v57+s19+$0x0], $0xffff;
	v19 =	vmul.f32 v62, v19;
	v40 =	vmul.f32 v56, v28;
	v20 =	vadd.f32 v20, v21  }
0x229: {  	v41 =	vor.u32 $0x14, v35;
	v43 =	vor.u32 $0x14, v34;
	v25 =	vld.idx.msk [tilespmem:v55+s17+$0x0], $0xffff  }
0x22a: {  	v46 =	vld.idx.msk [tilespmem:v61+s19+$0x0], $0xffff;
	v18 =	vmul.f32 v40, v18;
	v44 =	vmul.f32 v60, v27;
	v19 =	vadd.f32 v19, v20  }
0x22b: {  	v45 =	vor.u32 $0x15, v35;
	v47 =	vor.u32 $0x15, v34;
	v24 =	vld.idx.msk [tilespmem:v59+s17+$0x0], $0xffff  }
0x22c: {  	v50 =	vld.idx.msk [tilespmem:v39+s19+$0x0], $0xffff;
	v17 =	vmul.f32 v44, v17;
	v48 =	vmul.f32 v38, v26;
	v18 =	vadd.f32 v18, v19  }
0x22d: {  	v49 =	vor.u32 $0x16, v35;
	v51 =	vor.u32 $0x16, v34;
	v23 =	vld.idx.msk [tilespmem:v63+s17+$0x0], $0xffff  }
0x22e: {  	v54 =	vld.idx.msk [tilespmem:v43+s19+$0x0], $0xffff;
	v16 =	vmul.f32 v48, v16;
	v52 =	vmul.f32 v42, v25;
	v17 =	vadd.f32 v17, v18  }
0x22f: {  	v53 =	vor.u32 $0x17, v35;
	v55 =	vor.u32 $0x17, v34;
	v22 =	vld.idx.msk [tilespmem:v41+s17+$0x0], $0xffff  }
0x230: {  	v58 =	vld.idx.msk [tilespmem:v47+s19+$0x0], $0xffff;
	v15 =	vmul.f32 v52, v15;
	v56 =	vmul.f32 v46, v24;
	v16 =	vadd.f32 v16, v17  }
0x231: {  	v57 =	vor.u32 $0x18, v35;
	v59 =	vor.u32 $0x18, v34;
	v21 =	vld.idx.msk [tilespmem:v45+s17+$0x0], $0xffff  }
0x232: {  	v62 =	vld.idx.msk [tilespmem:v51+s19+$0x0], $0xffff;
	v14 =	vmul.f32 v56, v14;
	v60 =	vmul.f32 v50, v23;
	v15 =	vadd.f32 v15, v16  }
0x233: {  	v61 =	vor.u32 $0x19, v35;
	v63 =	vor.u32 $0x19, v34;
	v20 =	vld.idx.msk [tilespmem:v49+s17+$0x0], $0xffff  }
0x234: {  	v31 =	vld.idx.msk [tilespmem:v55+s19+$0x0], $0xffff;
	v13 =	vmul.f32 v60, v13;
	v29 =	vmul.f32 v54, v22;
	v14 =	vadd.f32 v14, v15  }
0x235: {  	v32 =	vor.u32 $0x1A, v34;
	v30 =	vor.u32 $0x1A, v35;
	v19 =	vld.idx.msk [tilespmem:v53+s17+$0x0], $0xffff  }
0x236: {  	v37 =	vld.idx.msk [tilespmem:v59+s19+$0x0], $0xffff;
	v12 =	vmul.f32 v29, v12;
	v33 =	vmul.f32 v58, v21;
	v13 =	vadd.f32 v13, v14  }
0x237: {  	v36 =	vor.u32 $0x1B, v35;
	v38 =	vor.u32 $0x1B, v34;
	v18 =	vld.idx.msk [tilespmem:v57+s17+$0x0], $0xffff  }
0x238: {  	v41 =	vld.idx.msk [tilespmem:v63+s19+$0x0], $0xffff;
	v11 =	vmul.f32 v33, v11;
	v39 =	vmul.f32 v62, v20;
	v12 =	vadd.f32 v12, v13  }
0x239: {  	v40 =	vor.u32 $0x1C, v35;
	v42 =	vor.u32 $0x1C, v34;
	v17 =	vld.idx.msk [tilespmem:v61+s17+$0x0], $0xffff  }
0x23a: {  	v45 =	vld.idx.msk [tilespmem:v32+s19+$0x0], $0xffff;
	v10 =	vmul.f32 v39, v10;
	v43 =	vmul.f32 v31, v19;
	v11 =	vadd.f32 v11, v12  }
0x23b: {  	v44 =	vor.u32 $0x1D, v35;
	v46 =	vor.u32 $0x1D, v34;
	v16 =	vld.idx.msk [tilespmem:v30+s17+$0x0], $0xffff  }
0x23c: {  	v49 =	vld.idx.msk [tilespmem:v38+s19+$0x0], $0xffff;
	v9 =	vmul.f32 v43, v9;
	v47 =	vmul.f32 v37, v18;
	v10 =	vadd.f32 v10, v11  }
0x23d: {  	v48 =	vor.u32 $0x1E, v35;
	v50 =	vor.u32 $0x1E, v34;
	v15 =	vld.idx.msk [tilespmem:v36+s17+$0x0], $0xffff  }
0x23e: {  	v53 =	vld.idx.msk [tilespmem:v42+s19+$0x0], $0xffff;
	v8 =	vmul.f32 v47, v8;
	v51 =	vmul.f32 v41, v17;
	v9 =	vadd.f32 v9, v10  }
0x23f: {  	v52 =	vor.u32 $0x1F, v35;
	v54 =	vor.u32 $0x1F, v34;
	v14 =	vld.idx.msk [tilespmem:v40+s17+$0x0], $0xffff  }
0x240: {  	v56 =	vld.idx.msk [tilespmem:v46+s19+$0x0], $0xffff;
	v7 =	vmul.f32 v51, v7;
	v55 =	vmul.f32 v45, v16;
	v8 =	vadd.f32 v8, v9  }
0x241: {  	v13 =	vld.idx.msk [tilespmem:v44+s17+$0x0], $0xffff  }
0x242: {  	v58 =	vld.idx.msk [tilespmem:v50+s19+$0x0], $0xffff;
	v6 =	vmul.f32 v55, v6;
	v57 =	vmul.f32 v49, v15;
	v7 =	vadd.f32 v7, v8  }
0x243: {  	v12 =	vld.idx.msk [tilespmem:v48+s17+$0x0], $0xffff  }
0x244: {  	v60 =	vld.idx.msk [tilespmem:v54+s19+$0x0], $0xffff;
	v5 =	vmul.f32 v57, v5;
	v59 =	vmul.f32 v53, v14;
	v6 =	vadd.f32 v6, v7  }
0x245: {  	v11 =	vld.idx.msk [tilespmem:v52+s17+$0x0], $0xffff  }
0x246: {  	v4 =	vmul.f32 v59, v4;
	v61 =	vmul.f32 v56, v13;
	v5 =	vadd.f32 v5, v6;
	_ =	sdelay $0x1  }
0x247: {  	v3 =	vmul.f32 v61, v3;
	v62 =	vmul.f32 v58, v12;
	v4 =	vadd.f32 v4, v5;
	_ =	sdelay $0x1  }
0x248: {  	v2 =	vmul.f32 v62, v2;
	v63 =	vmul.f32 v60, v11;
	v3 =	vadd.f32 v3, v4;
	_ =	sdelay $0x1  }
0x249: {  	v1 =	vmul.f32 v63, v1;
	v2 =	vadd.f32 v2, v3;
	_ =	sdelay $0x1  }
0x24a: {  	s25 =	sadd.s32 $0x1, s25;
	v1 =	vadd.f32 v1, v2  }
0x24b: {  	s26 =	sadd.s32 $0x10, s26;
	p0 =	sne.s32 s25, s10  }
.Ltmp3:
0x24c: {  	[tilespmem:s26+$0x0] =	vst v1;
	(pc) =	sbr.rel @p0 .LBB2_1-.Ltmp3, $4  }
0x24d: {  	[hbm4b:s9+s1] =	stream.linear.scatter [tilespmem:s24], [sflag:$0x3], $0x200, $0x38;
	[tilespmem:$0x10C10] =	vst v63  }
0x24e: {  	_ =	swait.ge [sflag:s11], $0x200  }
0x24f: {  	[sflag:s11] =	ssyncset.done $0x0  }
0x250: {  	[sflag:s11] =	ssyncadd.s32 $0xFFFFFE00  }
0x251: {  	_ =	sfence.sel $0x180000  }
0x252: {  	[bflag:$0x0] =	sbarrier.arrive $0xFFFF  }
0x253: {  	p0 =	sne.s32 s2, $0x0;
	_ =	strace $0x90000047  }
0x254: {  	s0 =	sadd.s32 @!p0 $0x100000, s0;
	[bflag:$0x2] =	sbarrier.arrive $0xFFFF  }
0x255: {  	[sflag:s0] =	ssyncadd.tile.s32 @!p0 $0x1;
	_ =	shalt  }
.Lfunc_end2:
_tile_overlayer_lowered:
.L_overlay_start_2:
0x256: {  	(tag) =	ssettag $0x2  }
0x257: {  	s0 =	rddreg [dreg:$0x0];
	s2 =	stileid.u32  }
0x258: {  	s1 =	rddreg [dreg:$0x1];
	p0 =	sne.s32 s2, $0x0  }
0x259: {  	s3 =	rddreg [dreg:$0x2];
	[bflag:$0x3] =	sbarrier.arrive $0xFFFF;
	s2 =	simm.s32 @!p0 $0x1C03  }
0x25a: {  	[timem:s3], [sflag:s2] =	dma.local @!p0 [hbm:s0], s1  }
0x25b: {  	s0 =	simm.s32 @!p0 $0x3  }
0x25c: {  	_ =	swait.ge @!p0 [sflag:s0], s1  }
0x25d: {  	s1 =	ssub.s32 @!p0 $0x0, s1;
	[sflag:s0] =	ssyncset.done @!p0 $0x0  }
0x25e: {  	[sflag:s0] =	ssyncadd.s32 @!p0 s1  }
0x25f: {  	[bflag:$0x3] =	sbarrier.arrive $0xFFFF  }
0x260: {  	_ =	shalt  }

</sc_bundles>
